<compile_context>
chip_gen: v7x
topology: tpu7x:2x2x1
jax: 0.10.2.dev20260603
libtpu: 0.0.44.dev20260713+nightly
codegen_flags: <defaults>
</compile_context>

<pallas_src>
import functools

import jax
import jax.numpy as jnp
from jax import lax
from jax.experimental import pallas as pl
from jax.experimental.pallas import tpu as pltpu
from jax.experimental.pallas import tpu_sc as plsc

N_IN = 8000
N_OUT = 2000
N_TOT = N_IN + N_OUT
E = 320000
DOM = 3
CH = 128

NC = 2
NS = 16
L = 16
NW = NC * NS

B_CH = 64
EPT = 10240
E_PAD = NW * EPT
NCHUNK = EPT // B_CH
NPAIR = NCHUNK // 2
N_PAD = 10240
ROWS_PT = N_PAD // NS
VPR = CH // L

_ROW_BLK = 1024
_GRID = N_PAD // _ROW_BLK


def _pre_body(x_ref, pos_ref, wl_ref, bl_ref, w1_ref, b1_ref,
              a_ref, b_ref, v_ref):
    v = jnp.dot(x_ref[...], wl_ref[...],
                preferred_element_type=jnp.float32,
                precision=jax.lax.Precision.HIGHEST) + bl_ref[...]
    pos = pos_ref[...]
    a_ref[...] = jnp.dot(pos, w1_ref[0:DOM, :],
                         preferred_element_type=jnp.float32,
                precision=jax.lax.Precision.HIGHEST) + b1_ref[...]
    b_ref[...] = (jnp.dot(pos, w1_ref[DOM:2 * DOM, :],
                          preferred_element_type=jnp.float32,
                precision=jax.lax.Precision.HIGHEST)
                  + jnp.dot(v, w1_ref[2 * DOM:, :],
                            preferred_element_type=jnp.float32,
                precision=jax.lax.Precision.HIGHEST))
    v_ref[...] = v


_pre = pl.pallas_call(
    _pre_body,
    grid=(_GRID,),
    in_specs=[
        pl.BlockSpec((_ROW_BLK, 1), lambda i: (i, 0)),
        pl.BlockSpec((_ROW_BLK, DOM), lambda i: (i, 0)),
        pl.BlockSpec((1, CH), lambda i: (0, 0)),
        pl.BlockSpec((1, CH), lambda i: (0, 0)),
        pl.BlockSpec((2 * DOM + CH, CH), lambda i: (0, 0)),
        pl.BlockSpec((1, CH), lambda i: (0, 0)),
    ],
    out_specs=[
        pl.BlockSpec((_ROW_BLK, CH), lambda i: (i, 0)),
        pl.BlockSpec((_ROW_BLK, CH), lambda i: (i, 0)),
        pl.BlockSpec((_ROW_BLK, CH), lambda i: (i, 0)),
    ],
    out_shape=[
        jax.ShapeDtypeStruct((N_PAD, CH), jnp.float32),
        jax.ShapeDtypeStruct((N_PAD, CH), jnp.float32),
        jax.ShapeDtypeStruct((N_PAD, CH), jnp.float32),
    ],
)


def _post_body(s0_ref, s1_ref, h_ref, v_ref, w2_ref, b2_ref, wloc_ref,
               bias_ref, wproj_ref, bproj_ref, out_ref):
    s = s0_ref[...] + s1_ref[...]
    cnt = jnp.sum(h_ref[...], axis=0)[:, None]
    summed = jnp.dot(s, w2_ref[...],
                     preferred_element_type=jnp.float32,
                precision=jax.lax.Precision.HIGHEST) + cnt * b2_ref[...]
    aggr = summed / jnp.maximum(cnt, 1.0)
    w = aggr + jnp.dot(v_ref[...], wloc_ref[...],
                       preferred_element_type=jnp.float32,
                precision=jax.lax.Precision.HIGHEST) + bias_ref[...]
    out_ref[...] = jnp.maximum(
        jnp.dot(w, wproj_ref[...], preferred_element_type=jnp.float32,
                precision=jax.lax.Precision.HIGHEST)
        + bproj_ref[...], 0.0)


_post = pl.pallas_call(
    _post_body,
    grid=(_GRID,),
    in_specs=[
        pl.BlockSpec((_ROW_BLK, CH), lambda i: (i, 0)),
        pl.BlockSpec((_ROW_BLK, CH), lambda i: (i, 0)),
        pl.BlockSpec((NW, _ROW_BLK), lambda i: (0, i)),
        pl.BlockSpec((_ROW_BLK, CH), lambda i: (i, 0)),
        pl.BlockSpec((CH, CH), lambda i: (0, 0)),
        pl.BlockSpec((1, CH), lambda i: (0, 0)),
        pl.BlockSpec((CH, CH), lambda i: (0, 0)),
        pl.BlockSpec((1, CH), lambda i: (0, 0)),
        pl.BlockSpec((CH, CH), lambda i: (0, 0)),
        pl.BlockSpec((1, CH), lambda i: (0, 0)),
    ],
    out_specs=pl.BlockSpec((_ROW_BLK, CH), lambda i: (i, 0)),
    out_shape=jax.ShapeDtypeStruct((N_PAD, CH), jnp.float32),
)


def _edge_body(a_hbm, b_hbm, e_hbm, zero_hbm, out_hbm, cnt_hbm,
               ei0, ei1, a0, b0, a1, b1, hist_v, s_sh,
               sa0, sb0, sa1, sb1):
    c = lax.axis_index("c")
    s = lax.axis_index("s")
    wid = c * NS + s
    zero16 = jnp.zeros((L,), jnp.float32)

    def hzero(i, carry):
        hist_v[pl.ds(i * L, L)] = zero16
        return carry

    lax.fori_loop(0, N_PAD // L, hzero, 0)

    pltpu.sync_copy(zero_hbm, s_sh.at[pl.ds(s * ROWS_PT, ROWS_PT)])

    plsc.subcore_barrier()

    base = wid * EPT

    def hist(dstb):
        def hupd(q, hcarry):
            vdst = dstb[pl.ds(q * L, L)]
            run, last = plsc.scan_count(vdst)
            plsc.addupdate_scatter(hist_v, [vdst], run.astype(jnp.float32),
                                   mask=last)
            return hcarry

        lax.fori_loop(0, B_CH // L, hupd, 0)

    def consume(dstb, ab, bb):
        def comp(r, icarry):
            for j in range(VPR):
                va = ab[r, pl.ds(j * L, L)]
                vb = bb[r, pl.ds(j * L, L)]
                ab[r, pl.ds(j * L, L)] = jnp.maximum(va + vb,
                                                     jnp.float32(0.0))
            return icarry

        lax.fori_loop(0, B_CH, comp, 0)
        pltpu.sync_copy(ab, s_sh.at[dstb], add=True)

    def issue(k, eib, ab, bb, sa, sb):
        pltpu.sync_copy(e_hbm.at[wid * NCHUNK + k], eib)
        pltpu.async_copy(a_hbm.at[eib.at[0]], ab, sa)
        pltpu.async_copy(b_hbm.at[eib.at[1]], bb, sb)

    issue(0, ei0, a0, b0, sa0, sb0)
    issue(1, ei1, a1, b1, sa1, sb1)

    def pair(p, carry):
        hist(ei0.at[0])
        pltpu.make_async_copy(a_hbm.at[ei0.at[0]], a0, sa0).wait()
        pltpu.make_async_copy(b_hbm.at[ei0.at[1]], b0, sb0).wait()
        consume(ei0.at[0], a0, b0)

        @pl.when(p < NPAIR - 1)
        def _():
            issue(2 * p + 2, ei0, a0, b0, sa0, sb0)

        hist(ei1.at[0])
        pltpu.make_async_copy(a_hbm.at[ei1.at[0]], a1, sa1).wait()
        pltpu.make_async_copy(b_hbm.at[ei1.at[1]], b1, sb1).wait()
        consume(ei1.at[0], a1, b1)

        @pl.when(p < NPAIR - 1)
        def _():
            issue(2 * p + 3, ei1, a1, b1, sa1, sb1)

        return carry

    lax.fori_loop(0, NPAIR, pair, 0)

    plsc.subcore_barrier()

    rows = pl.ds(s * ROWS_PT, ROWS_PT)
    pltpu.sync_copy(s_sh.at[rows], out_hbm.at[c, rows])
    pltpu.sync_copy(hist_v, cnt_hbm.at[wid])


_edge = functools.partial(
    pl.kernel,
    out_type=(
        jax.ShapeDtypeStruct((NC, N_PAD, CH), jnp.float32),
        jax.ShapeDtypeStruct((NW, N_PAD), jnp.float32),
    ),
    mesh=plsc.VectorSubcoreMesh(core_axis_name="c", subcore_axis_name="s"),
    compiler_params=pltpu.CompilerParams(needs_layout_passes=False),
    scratch_types=[
        pltpu.VMEM((2, B_CH), jnp.int32),
        pltpu.VMEM((2, B_CH), jnp.int32),
        pltpu.VMEM((B_CH, CH), jnp.float32),
        pltpu.VMEM((B_CH, CH), jnp.float32),
        pltpu.VMEM((B_CH, CH), jnp.float32),
        pltpu.VMEM((B_CH, CH), jnp.float32),
        pltpu.VMEM((N_PAD,), jnp.float32),
        pltpu.VMEM_SHARED((N_PAD, CH), jnp.float32),
        pltpu.SemaphoreType.DMA,
        pltpu.SemaphoreType.DMA,
        pltpu.SemaphoreType.DMA,
        pltpu.SemaphoreType.DMA,
    ],
)(_edge_body)


def kernel(x, pos_x, pos_y, edge_index, W_lift, b_lift, W1, b1, W2, b2,
           W_loc, bias, W_proj, b_proj):
    pos = jnp.concatenate(
        [pos_x, pos_y, jnp.zeros((N_PAD - N_TOT, DOM), dtype=pos_x.dtype)],
        axis=0)
    x_full = jnp.concatenate(
        [x, jnp.zeros((N_PAD - N_IN, x.shape[1]), dtype=x.dtype)], axis=0)
    pad_idx = N_TOT + jnp.arange(E_PAD - E, dtype=jnp.int32) % (N_PAD - N_TOT)
    src = jnp.concatenate([edge_index[0], pad_idx])
    dst = jnp.concatenate([edge_index[1], pad_idx])
    eidx = jnp.stack([dst.reshape(NW * NCHUNK, B_CH),
                      src.reshape(NW * NCHUNK, B_CH)], axis=1)

    a_tab, b_tab, v = _pre(x_full, pos, W_lift, b_lift.reshape(1, CH), W1,
                           b1.reshape(1, CH))
    zeros_blk = jnp.zeros((ROWS_PT, CH), jnp.float32)
    part, hist = _edge(a_tab, b_tab, eidx, zeros_blk)
    w = _post(part[0], part[1], hist, v, W2,
              b2.reshape(1, CH), W_loc, bias.reshape(1, CH), W_proj,
              b_proj.reshape(1, CH))
    return w[:N_IN], w[N_IN:N_TOT]

# --- scband reference (transcript-rebuilt; emitter-appended) ---
"""Pipeline reference for scband-gno-2551210574746 (READ-ONLY COPY).

The authoritative reference and input builder live on the scoring server;
editing this copy changes nothing except your own understanding.
"""

import jax, jax.numpy as jnp
import numpy as np

N_IN = 8000
N_OUT = 2000
N_TOT = N_IN + N_OUT
E = 320000
DOM = 3
CH = 128
IN_CH = 1


def setup_inputs(seed: int = 0) -> dict:
    key = jax.random.key(seed)
    ks = jax.random.split(key, 16)
    x = jax.random.normal(ks[0], (N_IN, IN_CH), dtype=jnp.float32)
    pos_x = jax.random.uniform(ks[1], (N_IN, DOM), dtype=jnp.float32)
    pos_y = jax.random.uniform(ks[2], (N_OUT, DOM), dtype=jnp.float32)
    edge_index = jax.random.randint(ks[3], (2, E), 0, N_TOT, dtype=jnp.int32)
    # learned parameters
    kin = 2 * DOM + CH  # transform MLP input: cat(pos_i, pos_j, v_j)
    W_lift = jax.random.normal(ks[4], (IN_CH, CH), dtype=jnp.float32) / np.sqrt(IN_CH)
    b_lift = jnp.zeros((CH,), dtype=jnp.float32)
    W1 = jax.random.normal(ks[5], (kin, CH), dtype=jnp.float32) / np.sqrt(kin)
    b1 = jnp.zeros((CH,), dtype=jnp.float32)
    W2 = jax.random.normal(ks[6], (CH, CH), dtype=jnp.float32) / np.sqrt(CH)
    b2 = jnp.zeros((CH,), dtype=jnp.float32)
    W_loc = jax.random.normal(ks[7], (CH, CH), dtype=jnp.float32) / np.sqrt(CH)
    bias = jax.random.normal(ks[8], (CH,), dtype=jnp.float32) * 0.01
    W_proj = jax.random.normal(ks[9], (CH, CH), dtype=jnp.float32) / np.sqrt(CH)
    b_proj = jnp.zeros((CH,), dtype=jnp.float32)
    return {
        "x": x, "pos_x": pos_x, "pos_y": pos_y, "edge_index": edge_index,
        "W_lift": W_lift, "b_lift": b_lift,
        "W1": W1, "b1": b1, "W2": W2, "b2": b2,
        "W_loc": W_loc, "bias": bias,
        "W_proj": W_proj, "b_proj": b_proj,
    }


def reference(x, pos_x, pos_y, edge_index, W_lift, b_lift, W1, b1, W2, b2,
              W_loc, bias, W_proj, b_proj):
    n = pos_x.shape[0]
    m = pos_y.shape[0]
    N = n + m
    # GNO.forward: pad x with zeros at query locations, concat positions
    x_full = jnp.concatenate([x, jnp.zeros((m, x.shape[1]), dtype=x.dtype)], axis=0)
    pos = jnp.concatenate([pos_x, pos_y], axis=0)
    # GNOLayer with lifting: v = lifting(v)
    v = x_full @ W_lift + b_lift
    # message passing, flow source_to_target: j = edge_index[0], i = edge_index[1]
    src = edge_index[0]
    dst = edge_index[1]
    feat = jnp.concatenate([pos[dst], pos[src], v[src]], axis=1)
    msg = jax.nn.relu(feat @ W1 + b1) @ W2 + b2
    # aggr='mean'
    summed = jax.ops.segment_sum(msg, dst, num_segments=N)
    cnt = jax.ops.segment_sum(jnp.ones((msg.shape[0],), dtype=msg.dtype), dst, num_segments=N)
    aggr = summed / jnp.maximum(cnt, 1.0)[:, None]
    # update: local_linear on v, plus bias
    w = aggr + v @ W_loc + bias
    # projection + activation (ReLU)
    w = w @ W_proj + b_proj
    w = jax.nn.relu(w)
    # torch.split(w, (n, m), dim=0)
    return w[:n], w[n:]

if __name__ == "__main__":
    import jax
    _d = setup_inputs()
    print(jax.jit(kernel)(*tuple(_d.values())))

</pallas_src>

<mosaic_0001>
#map = affine_map<(d0, d1) -> (0, 0)>
#map1 = affine_map<(d0, d1) -> (0, 0, 0)>
module attributes {stable_mosaic.version = 14 : i64} {
  func.func @_edge_body(%arg0: i32, %arg1: i32, %arg2: memref<10240x128xf32, #tpu.memory_space<hbm>>, %arg3: memref<10240x128xf32, #tpu.memory_space<hbm>>, %arg4: memref<5120x2x64xi32, #tpu.memory_space<hbm>>, %arg5: memref<640x128xf32, #tpu.memory_space<hbm>>, %arg6: memref<2x10240x128xf32, #tpu.memory_space<hbm>>, %arg7: memref<32x10240xf32, #tpu.memory_space<hbm>>, %arg8: memref<2x64xi32, #tpu.memory_space<vmem>>, %arg9: memref<2x64xi32, #tpu.memory_space<vmem>>, %arg10: memref<64x128xf32, #tpu.memory_space<vmem>>, %arg11: memref<64x128xf32, #tpu.memory_space<vmem>>, %arg12: memref<64x128xf32, #tpu.memory_space<vmem>>, %arg13: memref<64x128xf32, #tpu.memory_space<vmem>>, %arg14: memref<10240xf32, #tpu.memory_space<vmem>>, %arg15: memref<10240x128xf32, #tpu.memory_space<vmem_shared>>, %arg16: memref<!tpu.dma_semaphore, #tpu.memory_space<semaphore_mem>>, %arg17: memref<!tpu.dma_semaphore, #tpu.memory_space<semaphore_mem>>, %arg18: memref<!tpu.dma_semaphore, #tpu.memory_space<semaphore_mem>>, %arg19: memref<!tpu.dma_semaphore, #tpu.memory_space<semaphore_mem>>) attributes {dimension_semantics = [#tpu.dimension_semantics<core_parallel>, #tpu.dimension_semantics<subcore_parallel>], iteration_bounds = array<i64: 2, 16>, scalar_prefetch = 0 : i64, scratch_operands = 12 : i64, tpu.core_type = #tpu.core_type<sc_vector_subcore>, window_params = [{transform_indices = #map}, {transform_indices = #map}, {transform_indices = #map1}, {transform_indices = #map}, {transform_indices = #map1}, {transform_indices = #map}]} {
    %mul3A = arith.constant 16 : i32
    %mul3A_0 = arith.muli %arg0, %mul3A : i32
    %add3A = arith.addi %mul3A_0, %arg1 : i32
    %broadcast_in_dim3A = arith.constant 0.000000e+00 : f32
    %broadcast_in_dim3A_1 = vector.broadcast %broadcast_in_dim3A : f32 to vector<16xf32>
    %scan3A = arith.constant 0 : i32
    %scan3A_2 = arith.constant 0 : i32
    %scan3A_3 = arith.constant 640 : i32
    %scan3A_4 = arith.addi %scan3A_2, %scan3A_3 : i32
    %scan3A_5 = arith.constant 1 : i32
    scf.for %scan3A_55 = %scan3A_2 to %scan3A_4 step %scan3A_5  : i32 {
      %mul3A_56 = arith.constant 16 : i32
      %mul3A_57 = arith.muli %scan3A_55, %mul3A_56 : i32
      %swap3A = arith.index_cast %mul3A_57 : i32 to index
      %swap3A_58 = tpu.vector_load %arg14[%swap3A] {strides = array<i32>} : memref<10240xf32, #tpu.memory_space<vmem>>, vector<16xf32>,
      tpu.vector_store %arg14[%swap3A], %broadcast_in_dim3A_1 {strides = array<i32>} : memref<10240xf32, #tpu.memory_space<vmem>>, vector<16xf32>,
    }
    %scan3A_6 = arith.constant 640 : i32
    %mul3A_7 = arith.constant 640 : i32
    %mul3A_8 = arith.muli %arg1, %mul3A_7 : i32
    "tpu.region"() ({
      %run_scoped3A = tpu.sem_alloc : memref<!tpu.dma_semaphore, #tpu.memory_space<semaphore_mem>>
      %dma_start3A_55 = arith.constant 0 : i32
      %dma_start3A_56 = tpu.memref_slice %arg15[%mul3A_8, %dma_start3A_55] : memref<10240x128xf32, #tpu.memory_space<vmem_shared>> -> memref<640x128xf32, #tpu.memory_space<vmem_shared>>
      tpu.enqueue_dma source(%arg5 : memref<640x128xf32, #tpu.memory_space<hbm>>) target(%dma_start3A_56 : memref<640x128xf32, #tpu.memory_space<vmem_shared>>) target_semaphore(%run_scoped3A : memref<!tpu.dma_semaphore, #tpu.memory_space<semaphore_mem>>)
      %dma_wait3A = arith.constant 0 : i32
      %dma_wait3A_57 = tpu.memref_slice %arg15[%mul3A_8, %dma_wait3A] : memref<10240x128xf32, #tpu.memory_space<vmem_shared>> -> memref<640x128xf32, #tpu.memory_space<vmem_shared>>
      tpu.wait_dma2 semaphore(%run_scoped3A : memref<!tpu.dma_semaphore, #tpu.memory_space<semaphore_mem>>) src(%arg5 : memref<640x128xf32, #tpu.memory_space<hbm>>) dst(%dma_wait3A_57 : memref<640x128xf32, #tpu.memory_space<vmem_shared>>)
      tpu.yield
    }) : () -> ()
    %barrier3A = arith.constant 0 : index
    tpu.barrier barrier_id(%barrier3A)
    %mul3A_9 = arith.constant 10240 : i32
    %mul3A_10 = arith.muli %add3A, %mul3A_9 : i32
    %mul3A_11 = arith.constant 160 : i32
    %mul3A_12 = arith.muli %add3A, %mul3A_11 : i32
    %add3A_13 = arith.constant 0 : i32
    %add3A_14 = arith.addi %mul3A_12, %add3A_13 : i32
    "tpu.region"() ({
      %run_scoped3A = tpu.sem_alloc : memref<!tpu.dma_semaphore, #tpu.memory_space<semaphore_mem>>
      %dma_start3A_55 = arith.constant 0 : i32
      %dma_start3A_56 = arith.constant 0 : i32
      %dma_start3A_57 = tpu.memref_slice %arg4[%add3A_14, %dma_start3A_55, %dma_start3A_56] : memref<5120x2x64xi32, #tpu.memory_space<hbm>> -> memref<1x2x64xi32, #tpu.memory_space<hbm>>
      %dma_start3A_58 = tpu.memref_squeeze %dma_start3A_57 : memref<1x2x64xi32, #tpu.memory_space<hbm>> -> memref<2x64xi32, #tpu.memory_space<hbm>>
      %dma_start3A_59 = arith.constant 0 : i32
      %dma_start3A_60 = arith.constant 0 : i32
      %dma_start3A_61 = tpu.memref_slice %arg4[%add3A_14, %dma_start3A_59, %dma_start3A_60] : memref<5120x2x64xi32, #tpu.memory_space<hbm>> -> memref<1x2x64xi32, #tpu.memory_space<hbm>>
      %dma_start3A_62 = tpu.memref_squeeze %dma_start3A_61 : memref<1x2x64xi32, #tpu.memory_space<hbm>> -> memref<2x64xi32, #tpu.memory_space<hbm>>
      tpu.enqueue_dma source(%dma_start3A_62 : memref<2x64xi32, #tpu.memory_space<hbm>>) target(%arg8 : memref<2x64xi32, #tpu.memory_space<vmem>>) target_semaphore(%run_scoped3A : memref<!tpu.dma_semaphore, #tpu.memory_space<semaphore_mem>>)
      %dma_wait3A = arith.constant 0 : i32
      %dma_wait3A_63 = arith.constant 0 : i32
      %dma_wait3A_64 = tpu.memref_slice %arg4[%add3A_14, %dma_wait3A, %dma_wait3A_63] : memref<5120x2x64xi32, #tpu.memory_space<hbm>> -> memref<1x2x64xi32, #tpu.memory_space<hbm>>
      %dma_wait3A_65 = tpu.memref_squeeze %dma_wait3A_64 : memref<1x2x64xi32, #tpu.memory_space<hbm>> -> memref<2x64xi32, #tpu.memory_space<hbm>>
      %dma_wait3A_66 = arith.constant 0 : i32
      %dma_wait3A_67 = arith.constant 0 : i32
      %dma_wait3A_68 = tpu.memref_slice %arg4[%add3A_14, %dma_wait3A_66, %dma_wait3A_67] : memref<5120x2x64xi32, #tpu.memory_space<hbm>> -> memref<1x2x64xi32, #tpu.memory_space<hbm>>
      %dma_wait3A_69 = tpu.memref_squeeze %dma_wait3A_68 : memref<1x2x64xi32, #tpu.memory_space<hbm>> -> memref<2x64xi32, #tpu.memory_space<hbm>>
      tpu.wait_dma2 semaphore(%run_scoped3A : memref<!tpu.dma_semaphore, #tpu.memory_space<semaphore_mem>>) src(%dma_wait3A_69 : memref<2x64xi32, #tpu.memory_space<hbm>>) dst(%arg8 : memref<2x64xi32, #tpu.memory_space<vmem>>)
      tpu.yield
    }) : () -> ()
    %dma_start3A = arith.constant 0 : i32
    %dma_start3A_15 = arith.constant 0 : i32
    %dma_start3A_16 = tpu.memref_slice %arg8[%dma_start3A, %dma_start3A_15] : memref<2x64xi32, #tpu.memory_space<vmem>> -> memref<1x64xi32, #tpu.memory_space<vmem>>
    %dma_start3A_17 = tpu.memref_squeeze %dma_start3A_16 : memref<1x64xi32, #tpu.memory_space<vmem>> -> memref<64xi32, #tpu.memory_space<vmem>>
    %dma_start3A_18 = arith.constant 0 : i32
    %dma_start3A_19 = arith.constant 0 : i32
    %dma_start3A_20 = tpu.memref_slice %arg2[%dma_start3A_18, %dma_start3A_19] : memref<10240x128xf32, #tpu.memory_space<hbm>> -> memref<10240x128xf32, #tpu.memory_space<hbm>>
    tpu.enqueue_indirect_dma source(%dma_start3A_20 : memref<10240x128xf32, #tpu.memory_space<hbm>>) target(%arg10 : memref<64x128xf32, #tpu.memory_space<vmem>>) offsets(%dma_start3A_17 : memref<64xi32, #tpu.memory_space<vmem>>) semaphore(%arg16 : memref<!tpu.dma_semaphore, #tpu.memory_space<semaphore_mem>>)
    %dma_start3A_21 = arith.constant 1 : i32
    %dma_start3A_22 = arith.constant 0 : i32
    %dma_start3A_23 = tpu.memref_slice %arg8[%dma_start3A_21, %dma_start3A_22] : memref<2x64xi32, #tpu.memory_space<vmem>> -> memref<1x64xi32, #tpu.memory_space<vmem>>
    %dma_start3A_24 = tpu.memref_squeeze %dma_start3A_23 : memref<1x64xi32, #tpu.memory_space<vmem>> -> memref<64xi32, #tpu.memory_space<vmem>>
    %dma_start3A_25 = arith.constant 0 : i32
    %dma_start3A_26 = arith.constant 0 : i32
    %dma_start3A_27 = tpu.memref_slice %arg3[%dma_start3A_25, %dma_start3A_26] : memref<10240x128xf32, #tpu.memory_space<hbm>> -> memref<10240x128xf32, #tpu.memory_space<hbm>>
    tpu.enqueue_indirect_dma source(%dma_start3A_27 : memref<10240x128xf32, #tpu.memory_space<hbm>>) target(%arg11 : memref<64x128xf32, #tpu.memory_space<vmem>>) offsets(%dma_start3A_24 : memref<64xi32, #tpu.memory_space<vmem>>) semaphore(%arg17 : memref<!tpu.dma_semaphore, #tpu.memory_space<semaphore_mem>>)
    %mul3A_28 = arith.constant 160 : i32
    %mul3A_29 = arith.muli %add3A, %mul3A_28 : i32
    %add3A_30 = arith.constant 1 : i32
    %add3A_31 = arith.addi %mul3A_29, %add3A_30 : i32
    "tpu.region"() ({
      %run_scoped3A = tpu.sem_alloc : memref<!tpu.dma_semaphore, #tpu.memory_space<semaphore_mem>>
      %dma_start3A_55 = arith.constant 0 : i32
      %dma_start3A_56 = arith.constant 0 : i32
      %dma_start3A_57 = tpu.memref_slice %arg4[%add3A_31, %dma_start3A_55, %dma_start3A_56] : memref<5120x2x64xi32, #tpu.memory_space<hbm>> -> memref<1x2x64xi32, #tpu.memory_space<hbm>>
      %dma_start3A_58 = tpu.memref_squeeze %dma_start3A_57 : memref<1x2x64xi32, #tpu.memory_space<hbm>> -> memref<2x64xi32, #tpu.memory_space<hbm>>
      %dma_start3A_59 = arith.constant 0 : i32
      %dma_start3A_60 = arith.constant 0 : i32
      %dma_start3A_61 = tpu.memref_slice %arg4[%add3A_31, %dma_start3A_59, %dma_start3A_60] : memref<5120x2x64xi32, #tpu.memory_space<hbm>> -> memref<1x2x64xi32, #tpu.memory_space<hbm>>
      %dma_start3A_62 = tpu.memref_squeeze %dma_start3A_61 : memref<1x2x64xi32, #tpu.memory_space<hbm>> -> memref<2x64xi32, #tpu.memory_space<hbm>>
      tpu.enqueue_dma source(%dma_start3A_62 : memref<2x64xi32, #tpu.memory_space<hbm>>) target(%arg9 : memref<2x64xi32, #tpu.memory_space<vmem>>) target_semaphore(%run_scoped3A : memref<!tpu.dma_semaphore, #tpu.memory_space<semaphore_mem>>)
      %dma_wait3A = arith.constant 0 : i32
      %dma_wait3A_63 = arith.constant 0 : i32
      %dma_wait3A_64 = tpu.memref_slice %arg4[%add3A_31, %dma_wait3A, %dma_wait3A_63] : memref<5120x2x64xi32, #tpu.memory_space<hbm>> -> memref<1x2x64xi32, #tpu.memory_space<hbm>>
      %dma_wait3A_65 = tpu.memref_squeeze %dma_wait3A_64 : memref<1x2x64xi32, #tpu.memory_space<hbm>> -> memref<2x64xi32, #tpu.memory_space<hbm>>
      %dma_wait3A_66 = arith.constant 0 : i32
      %dma_wait3A_67 = arith.constant 0 : i32
      %dma_wait3A_68 = tpu.memref_slice %arg4[%add3A_31, %dma_wait3A_66, %dma_wait3A_67] : memref<5120x2x64xi32, #tpu.memory_space<hbm>> -> memref<1x2x64xi32, #tpu.memory_space<hbm>>
      %dma_wait3A_69 = tpu.memref_squeeze %dma_wait3A_68 : memref<1x2x64xi32, #tpu.memory_space<hbm>> -> memref<2x64xi32, #tpu.memory_space<hbm>>
      tpu.wait_dma2 semaphore(%run_scoped3A : memref<!tpu.dma_semaphore, #tpu.memory_space<semaphore_mem>>) src(%dma_wait3A_69 : memref<2x64xi32, #tpu.memory_space<hbm>>) dst(%arg9 : memref<2x64xi32, #tpu.memory_space<vmem>>)
      tpu.yield
    }) : () -> ()
    %dma_start3A_32 = arith.constant 0 : i32
    %dma_start3A_33 = arith.constant 0 : i32
    %dma_start3A_34 = tpu.memref_slice %arg9[%dma_start3A_32, %dma_start3A_33] : memref<2x64xi32, #tpu.memory_space<vmem>> -> memref<1x64xi32, #tpu.memory_space<vmem>>
    %dma_start3A_35 = tpu.memref_squeeze %dma_start3A_34 : memref<1x64xi32, #tpu.memory_space<vmem>> -> memref<64xi32, #tpu.memory_space<vmem>>
    %dma_start3A_36 = arith.constant 0 : i32
    %dma_start3A_37 = arith.constant 0 : i32
    %dma_start3A_38 = tpu.memref_slice %arg2[%dma_start3A_36, %dma_start3A_37] : memref<10240x128xf32, #tpu.memory_space<hbm>> -> memref<10240x128xf32, #tpu.memory_space<hbm>>
    tpu.enqueue_indirect_dma source(%dma_start3A_38 : memref<10240x128xf32, #tpu.memory_space<hbm>>) target(%arg12 : memref<64x128xf32, #tpu.memory_space<vmem>>) offsets(%dma_start3A_35 : memref<64xi32, #tpu.memory_space<vmem>>) semaphore(%arg18 : memref<!tpu.dma_semaphore, #tpu.memory_space<semaphore_mem>>)
    %dma_start3A_39 = arith.constant 1 : i32
    %dma_start3A_40 = arith.constant 0 : i32
    %dma_start3A_41 = tpu.memref_slice %arg9[%dma_start3A_39, %dma_start3A_40] : memref<2x64xi32, #tpu.memory_space<vmem>> -> memref<1x64xi32, #tpu.memory_space<vmem>>
    %dma_start3A_42 = tpu.memref_squeeze %dma_start3A_41 : memref<1x64xi32, #tpu.memory_space<vmem>> -> memref<64xi32, #tpu.memory_space<vmem>>
    %dma_start3A_43 = arith.constant 0 : i32
    %dma_start3A_44 = arith.constant 0 : i32
    %dma_start3A_45 = tpu.memref_slice %arg3[%dma_start3A_43, %dma_start3A_44] : memref<10240x128xf32, #tpu.memory_space<hbm>> -> memref<10240x128xf32, #tpu.memory_space<hbm>>
    tpu.enqueue_indirect_dma source(%dma_start3A_45 : memref<10240x128xf32, #tpu.memory_space<hbm>>) target(%arg13 : memref<64x128xf32, #tpu.memory_space<vmem>>) offsets(%dma_start3A_42 : memref<64xi32, #tpu.memory_space<vmem>>) semaphore(%arg19 : memref<!tpu.dma_semaphore, #tpu.memory_space<semaphore_mem>>)
    %scan3A_46 = arith.constant 0 : i32
    %scan3A_47 = arith.constant 0 : i32
    %scan3A_48 = arith.constant 80 : i32
    %scan3A_49 = arith.addi %scan3A_47, %scan3A_48 : i32
    %scan3A_50 = arith.constant 1 : i32
    scf.for %scan3A_55 = %scan3A_47 to %scan3A_49 step %scan3A_50  : i32 {
      %scan3A_56 = arith.constant 0 : i32
      %scan3A_57 = arith.constant 0 : i32
      %scan3A_58 = arith.constant 0 : i32
      %scan3A_59 = arith.constant 4 : i32
      %scan3A_60 = arith.addi %scan3A_58, %scan3A_59 : i32
      %scan3A_61 = arith.constant 1 : i32
      scf.for %scan3A_117 = %scan3A_58 to %scan3A_60 step %scan3A_61  : i32 {
        %mul3A_118 = arith.constant 16 : i32
        %mul3A_119 = arith.muli %scan3A_117, %mul3A_118 : i32
        %get3A = arith.constant 0 : i32
        %get3A_120 = tpu.memref_slice %arg8[%scan3A_57, %get3A] : memref<2x64xi32, #tpu.memory_space<vmem>> -> memref<1x64xi32, #tpu.memory_space<vmem>>
        %get3A_121 = tpu.memref_squeeze %get3A_120 : memref<1x64xi32, #tpu.memory_space<vmem>> -> memref<64xi32, #tpu.memory_space<vmem>>
        %get3A_122 = arith.index_cast %mul3A_119 : i32 to index
        %get3A_123 = tpu.vector_load %get3A_121[%get3A_122] {strides = array<i32>} : memref<64xi32, #tpu.memory_space<vmem>>, vector<16xi32>,
        %broadcast_in_dim3A_124 = arith.constant true
        %broadcast_in_dim3A_125 = vector.broadcast %broadcast_in_dim3A_124 : i1 to vector<16xi1>
        %unique3A, %unique3A_126 = tpu.scan_count mask(%broadcast_in_dim3A_125 : vector<16xi1>) value(%get3A_123 : vector<16xi32>) : vector<16xi1>, vector<16xi32>
        %convert_element_type3A_127 = arith.sitofp %unique3A_126 : vector<16xi32> to vector<16xf32>
        tpu.vector_store_idx %arg14[%get3A_123], %convert_element_type3A_127 masked %unique3A {add = true} : memref<10240xf32, #tpu.memory_space<vmem>>[vector<16xi32>], vector<16xf32>, vector<16xi1>
      }
      %scan3A_62 = arith.constant 4 : i32
      %dma_wait3A = arith.constant 0 : i32
      %dma_wait3A_63 = arith.constant 0 : i32
      %dma_wait3A_64 = tpu.memref_slice %arg8[%dma_wait3A, %dma_wait3A_63] : memref<2x64xi32, #tpu.memory_space<vmem>> -> memref<1x64xi32, #tpu.memory_space<vmem>>
      %dma_wait3A_65 = tpu.memref_squeeze %dma_wait3A_64 : memref<1x64xi32, #tpu.memory_space<vmem>> -> memref<64xi32, #tpu.memory_space<vmem>>
      %dma_wait3A_66 = arith.constant 0 : i32
      %dma_wait3A_67 = arith.constant 0 : i32
      %dma_wait3A_68 = tpu.memref_slice %arg2[%dma_wait3A_66, %dma_wait3A_67] : memref<10240x128xf32, #tpu.memory_space<hbm>> -> memref<10240x128xf32, #tpu.memory_space<hbm>>
      tpu.wait_indirect_dma semaphore(%arg16 : memref<!tpu.dma_semaphore, #tpu.memory_space<semaphore_mem>>) src(%dma_wait3A_68 : memref<10240x128xf32, #tpu.memory_space<hbm>>) dst(%arg10 : memref<64x128xf32, #tpu.memory_space<vmem>>)
      %dma_wait3A_69 = arith.constant 1 : i32
      %dma_wait3A_70 = arith.constant 0 : i32
      %dma_wait3A_71 = tpu.memref_slice %arg8[%dma_wait3A_69, %dma_wait3A_70] : memref<2x64xi32, #tpu.memory_space<vmem>> -> memref<1x64xi32, #tpu.memory_space<vmem>>
      %dma_wait3A_72 = tpu.memref_squeeze %dma_wait3A_71 : memref<1x64xi32, #tpu.memory_space<vmem>> -> memref<64xi32, #tpu.memory_space<vmem>>
      %dma_wait3A_73 = arith.constant 0 : i32
      %dma_wait3A_74 = arith.constant 0 : i32
      %dma_wait3A_75 = tpu.memref_slice %arg3[%dma_wait3A_73, %dma_wait3A_74] : memref<10240x128xf32, #tpu.memory_space<hbm>> -> memref<10240x128xf32, #tpu.memory_space<hbm>>
      tpu.wait_indirect_dma semaphore(%arg17 : memref<!tpu.dma_semaphore, #tpu.memory_space<semaphore_mem>>) src(%dma_wait3A_75 : memref<10240x128xf32, #tpu.memory_space<hbm>>) dst(%arg11 : memref<64x128xf32, #tpu.memory_space<vmem>>)
      %scan3A_76 = arith.constant 0 : i32
      %scan3A_77 = arith.constant 0 : i32
      %scan3A_78 = arith.constant 64 : i32
      %scan3A_79 = arith.addi %scan3A_77, %scan3A_78 : i32
      %scan3A_80 = arith.constant 1 : i32
      scf.for %scan3A_117 = %scan3A_77 to %scan3A_79 step %scan3A_80  : i32 {
        %get3A = arith.index_cast %scan3A_117 : i32 to index
        %get3A_118 = arith.constant 0 : index
        %get3A_119 = tpu.vector_load %arg10[%get3A, %get3A_118] {strides = array<i32>} : memref<64x128xf32, #tpu.memory_space<vmem>>, vector<16xf32>,
        %get3A_120 = arith.index_cast %scan3A_117 : i32 to index
        %get3A_121 = arith.constant 0 : index
        %get3A_122 = tpu.vector_load %arg11[%get3A_120, %get3A_121] {strides = array<i32>} : memref<64x128xf32, #tpu.memory_space<vmem>>, vector<16xf32>,
        %add3A_123 = arith.addf %get3A_119, %get3A_122 : vector<16xf32>
        %max3A = arith.constant 0.000000e+00 : f32
        %max3A_124 = vector.broadcast %max3A : f32 to vector<16xf32>
        %max3A_125 = arith.maximumf %add3A_123, %max3A_124 : vector<16xf32>
        %swap3A = arith.index_cast %scan3A_117 : i32 to index
        %swap3A_126 = arith.constant 0 : index
        %swap3A_127 = tpu.vector_load %arg10[%swap3A, %swap3A_126] {strides = array<i32>} : memref<64x128xf32, #tpu.memory_space<vmem>>, vector<16xf32>,
        tpu.vector_store %arg10[%swap3A, %swap3A_126], %max3A_125 {strides = array<i32>} : memref<64x128xf32, #tpu.memory_space<vmem>>, vector<16xf32>,
        %get3A_128 = arith.index_cast %scan3A_117 : i32 to index
        %get3A_129 = arith.constant 16 : index
        %get3A_130 = tpu.vector_load %arg10[%get3A_128, %get3A_129] {strides = array<i32>} : memref<64x128xf32, #tpu.memory_space<vmem>>, vector<16xf32>,
        %get3A_131 = arith.index_cast %scan3A_117 : i32 to index
        %get3A_132 = arith.constant 16 : index
        %get3A_133 = tpu.vector_load %arg11[%get3A_131, %get3A_132] {strides = array<i32>} : memref<64x128xf32, #tpu.memory_space<vmem>>, vector<16xf32>,
        %add3A_134 = arith.addf %get3A_130, %get3A_133 : vector<16xf32>
        %max3A_135 = arith.constant 0.000000e+00 : f32
        %max3A_136 = vector.broadcast %max3A_135 : f32 to vector<16xf32>
        %max3A_137 = arith.maximumf %add3A_134, %max3A_136 : vector<16xf32>
        %swap3A_138 = arith.index_cast %scan3A_117 : i32 to index
        %swap3A_139 = arith.constant 16 : index
        %swap3A_140 = tpu.vector_load %arg10[%swap3A_138, %swap3A_139] {strides = array<i32>} : memref<64x128xf32, #tpu.memory_space<vmem>>, vector<16xf32>,
        tpu.vector_store %arg10[%swap3A_138, %swap3A_139], %max3A_137 {strides = array<i32>} : memref<64x128xf32, #tpu.memory_space<vmem>>, vector<16xf32>,
        %get3A_141 = arith.index_cast %scan3A_117 : i32 to index
        %get3A_142 = arith.constant 32 : index
        %get3A_143 = tpu.vector_load %arg10[%get3A_141, %get3A_142] {strides = array<i32>} : memref<64x128xf32, #tpu.memory_space<vmem>>, vector<16xf32>,
        %get3A_144 = arith.index_cast %scan3A_117 : i32 to index
        %get3A_145 = arith.constant 32 : index
        %get3A_146 = tpu.vector_load %arg11[%get3A_144, %get3A_145] {strides = array<i32>} : memref<64x128xf32, #tpu.memory_space<vmem>>, vector<16xf32>,
        %add3A_147 = arith.addf %get3A_143, %get3A_146 : vector<16xf32>
        %max3A_148 = arith.constant 0.000000e+00 : f32
        %max3A_149 = vector.broadcast %max3A_148 : f32 to vector<16xf32>
        %max3A_150 = arith.maximumf %add3A_147, %max3A_149 : vector<16xf32>
        %swap3A_151 = arith.index_cast %scan3A_117 : i32 to index
        %swap3A_152 = arith.constant 32 : index
        %swap3A_153 = tpu.vector_load %arg10[%swap3A_151, %swap3A_152] {strides = array<i32>} : memref<64x128xf32, #tpu.memory_space<vmem>>, vector<16xf32>,
        tpu.vector_store %arg10[%swap3A_151, %swap3A_152], %max3A_150 {strides = array<i32>} : memref<64x128xf32, #tpu.memory_space<vmem>>, vector<16xf32>,
        %get3A_154 = arith.index_cast %scan3A_117 : i32 to index
        %get3A_155 = arith.constant 48 : index
        %get3A_156 = tpu.vector_load %arg10[%get3A_154, %get3A_155] {strides = array<i32>} : memref<64x128xf32, #tpu.memory_space<vmem>>, vector<16xf32>,
        %get3A_157 = arith.index_cast %scan3A_117 : i32 to index
        %get3A_158 = arith.constant 48 : index
        %get3A_159 = tpu.vector_load %arg11[%get3A_157, %get3A_158] {strides = array<i32>} : memref<64x128xf32, #tpu.memory_space<vmem>>, vector<16xf32>,
        %add3A_160 = arith.addf %get3A_156, %get3A_159 : vector<16xf32>
        %max3A_161 = arith.constant 0.000000e+00 : f32
        %max3A_162 = vector.broadcast %max3A_161 : f32 to vector<16xf32>
        %max3A_163 = arith.maximumf %add3A_160, %max3A_162 : vector<16xf32>
        %swap3A_164 = arith.index_cast %scan3A_117 : i32 to index
        %swap3A_165 = arith.constant 48 : index
        %swap3A_166 = tpu.vector_load %arg10[%swap3A_164, %swap3A_165] {strides = array<i32>} : memref<64x128xf32, #tpu.memory_space<vmem>>, vector<16xf32>,
        tpu.vector_store %arg10[%swap3A_164, %swap3A_165], %max3A_163 {strides = array<i32>} : memref<64x128xf32, #tpu.memory_space<vmem>>, vector<16xf32>,
        %get3A_167 = arith.index_cast %scan3A_117 : i32 to index
        %get3A_168 = arith.constant 64 : index
        %get3A_169 = tpu.vector_load %arg10[%get3A_167, %get3A_168] {strides = array<i32>} : memref<64x128xf32, #tpu.memory_space<vmem>>, vector<16xf32>,
        %get3A_170 = arith.index_cast %scan3A_117 : i32 to index
        %get3A_171 = arith.constant 64 : index
        %get3A_172 = tpu.vector_load %arg11[%get3A_170, %get3A_171] {strides = array<i32>} : memref<64x128xf32, #tpu.memory_space<vmem>>, vector<16xf32>,
        %add3A_173 = arith.addf %get3A_169, %get3A_172 : vector<16xf32>
        %max3A_174 = arith.constant 0.000000e+00 : f32
        %max3A_175 = vector.broadcast %max3A_174 : f32 to vector<16xf32>
        %max3A_176 = arith.maximumf %add3A_173, %max3A_175 : vector<16xf32>
        %swap3A_177 = arith.index_cast %scan3A_117 : i32 to index
        %swap3A_178 = arith.constant 64 : index
        %swap3A_179 = tpu.vector_load %arg10[%swap3A_177, %swap3A_178] {strides = array<i32>} : memref<64x128xf32, #tpu.memory_space<vmem>>, vector<16xf32>,
        tpu.vector_store %arg10[%swap3A_177, %swap3A_178], %max3A_176 {strides = array<i32>} : memref<64x128xf32, #tpu.memory_space<vmem>>, vector<16xf32>,
        %get3A_180 = arith.index_cast %scan3A_117 : i32 to index
        %get3A_181 = arith.constant 80 : index
        %get3A_182 = tpu.vector_load %arg10[%get3A_180, %get3A_181] {strides = array<i32>} : memref<64x128xf32, #tpu.memory_space<vmem>>, vector<16xf32>,
        %get3A_183 = arith.index_cast %scan3A_117 : i32 to index
        %get3A_184 = arith.constant 80 : index
        %get3A_185 = tpu.vector_load %arg11[%get3A_183, %get3A_184] {strides = array<i32>} : memref<64x128xf32, #tpu.memory_space<vmem>>, vector<16xf32>,
        %add3A_186 = arith.addf %get3A_182, %get3A_185 : vector<16xf32>
        %max3A_187 = arith.constant 0.000000e+00 : f32
        %max3A_188 = vector.broadcast %max3A_187 : f32 to vector<16xf32>
        %max3A_189 = arith.maximumf %add3A_186, %max3A_188 : vector<16xf32>
        %swap3A_190 = arith.index_cast %scan3A_117 : i32 to index
        %swap3A_191 = arith.constant 80 : index
        %swap3A_192 = tpu.vector_load %arg10[%swap3A_190, %swap3A_191] {strides = array<i32>} : memref<64x128xf32, #tpu.memory_space<vmem>>, vector<16xf32>,
        tpu.vector_store %arg10[%swap3A_190, %swap3A_191], %max3A_189 {strides = array<i32>} : memref<64x128xf32, #tpu.memory_space<vmem>>, vector<16xf32>,
        %get3A_193 = arith.index_cast %scan3A_117 : i32 to index
        %get3A_194 = arith.constant 96 : index
        %get3A_195 = tpu.vector_load %arg10[%get3A_193, %get3A_194] {strides = array<i32>} : memref<64x128xf32, #tpu.memory_space<vmem>>, vector<16xf32>,
        %get3A_196 = arith.index_cast %scan3A_117 : i32 to index
        %get3A_197 = arith.constant 96 : index
        %get3A_198 = tpu.vector_load %arg11[%get3A_196, %get3A_197] {strides = array<i32>} : memref<64x128xf32, #tpu.memory_space<vmem>>, vector<16xf32>,
        %add3A_199 = arith.addf %get3A_195, %get3A_198 : vector<16xf32>
        %max3A_200 = arith.constant 0.000000e+00 : f32
        %max3A_201 = vector.broadcast %max3A_200 : f32 to vector<16xf32>
        %max3A_202 = arith.maximumf %add3A_199, %max3A_201 : vector<16xf32>
        %swap3A_203 = arith.index_cast %scan3A_117 : i32 to index
        %swap3A_204 = arith.constant 96 : index
        %swap3A_205 = tpu.vector_load %arg10[%swap3A_203, %swap3A_204] {strides = array<i32>} : memref<64x128xf32, #tpu.memory_space<vmem>>, vector<16xf32>,
        tpu.vector_store %arg10[%swap3A_203, %swap3A_204], %max3A_202 {strides = array<i32>} : memref<64x128xf32, #tpu.memory_space<vmem>>, vector<16xf32>,
        %get3A_206 = arith.index_cast %scan3A_117 : i32 to index
        %get3A_207 = arith.constant 112 : index
        %get3A_208 = tpu.vector_load %arg10[%get3A_206, %get3A_207] {strides = array<i32>} : memref<64x128xf32, #tpu.memory_space<vmem>>, vector<16xf32>,
        %get3A_209 = arith.index_cast %scan3A_117 : i32 to index
        %get3A_210 = arith.constant 112 : index
        %get3A_211 = tpu.vector_load %arg11[%get3A_209, %get3A_210] {strides = array<i32>} : memref<64x128xf32, #tpu.memory_space<vmem>>, vector<16xf32>,
        %add3A_212 = arith.addf %get3A_208, %get3A_211 : vector<16xf32>
        %max3A_213 = arith.constant 0.000000e+00 : f32
        %max3A_214 = vector.broadcast %max3A_213 : f32 to vector<16xf32>
        %max3A_215 = arith.maximumf %add3A_212, %max3A_214 : vector<16xf32>
        %swap3A_216 = arith.index_cast %scan3A_117 : i32 to index
        %swap3A_217 = arith.constant 112 : index
        %swap3A_218 = tpu.vector_load %arg10[%swap3A_216, %swap3A_217] {strides = array<i32>} : memref<64x128xf32, #tpu.memory_space<vmem>>, vector<16xf32>,
        tpu.vector_store %arg10[%swap3A_216, %swap3A_217], %max3A_215 {strides = array<i32>} : memref<64x128xf32, #tpu.memory_space<vmem>>, vector<16xf32>,
      }
      %scan3A_81 = arith.constant 64 : i32
      %run_scoped3A = arith.constant 0 : i32
      "tpu.region"() ({
        %run_scoped3A_117 = tpu.sem_alloc : memref<!tpu.dma_semaphore, #tpu.memory_space<semaphore_mem>>
        %dma_start3A_118 = arith.constant 0 : i32
        %dma_start3A_119 = tpu.memref_slice %arg8[%run_scoped3A, %dma_start3A_118] : memref<2x64xi32, #tpu.memory_space<vmem>> -> memref<1x64xi32, #tpu.memory_space<vmem>>
        %dma_start3A_120 = tpu.memref_squeeze %dma_start3A_119 : memref<1x64xi32, #tpu.memory_space<vmem>> -> memref<64xi32, #tpu.memory_space<vmem>>
        %dma_start3A_121 = arith.constant 0 : i32
        %dma_start3A_122 = arith.constant 0 : i32
        %dma_start3A_123 = tpu.memref_slice %arg15[%dma_start3A_121, %dma_start3A_122] : memref<10240x128xf32, #tpu.memory_space<vmem_shared>> -> memref<10240x128xf32, #tpu.memory_space<vmem_shared>>
        tpu.enqueue_indirect_dma source(%arg10 : memref<64x128xf32, #tpu.memory_space<vmem>>) target(%dma_start3A_123 : memref<10240x128xf32, #tpu.memory_space<vmem_shared>>) offsets(%dma_start3A_120 : memref<64xi32, #tpu.memory_space<vmem>>) semaphore(%run_scoped3A_117 : memref<!tpu.dma_semaphore, #tpu.memory_space<semaphore_mem>>) {add = true}
        %dma_wait3A_124 = arith.constant 0 : i32
        %dma_wait3A_125 = tpu.memref_slice %arg8[%run_scoped3A, %dma_wait3A_124] : memref<2x64xi32, #tpu.memory_space<vmem>> -> memref<1x64xi32, #tpu.memory_space<vmem>>
        %dma_wait3A_126 = tpu.memref_squeeze %dma_wait3A_125 : memref<1x64xi32, #tpu.memory_space<vmem>> -> memref<64xi32, #tpu.memory_space<vmem>>
        %dma_wait3A_127 = arith.constant 0 : i32
        %dma_wait3A_128 = arith.constant 0 : i32
        %dma_wait3A_129 = tpu.memref_slice %arg15[%dma_wait3A_127, %dma_wait3A_128] : memref<10240x128xf32, #tpu.memory_space<vmem_shared>> -> memref<10240x128xf32, #tpu.memory_space<vmem_shared>>
        tpu.wait_indirect_dma semaphore(%run_scoped3A_117 : memref<!tpu.dma_semaphore, #tpu.memory_space<semaphore_mem>>) src(%arg10 : memref<64x128xf32, #tpu.memory_space<vmem>>) dst(%dma_wait3A_129 : memref<10240x128xf32, #tpu.memory_space<vmem_shared>>)
        tpu.yield
      }) : () -> ()
      %lt3A = arith.constant 79 : i32
      %lt3A_82 = arith.cmpi slt, %scan3A_55, %lt3A : i32
      %convert_element_type3A = arith.extui %lt3A_82 : i1 to i32
      %cond3A = arith.constant 0 : i32
      %cond3A_83 = arith.cmpi ne, %convert_element_type3A, %cond3A : i32
      scf.if %cond3A_83 {
        %mul3A_117 = arith.constant 2 : i32
        %mul3A_118 = arith.muli %mul3A_117, %scan3A_55 : i32
        %add3A_119 = arith.constant 2 : i32
        %add3A_120 = arith.addi %mul3A_118, %add3A_119 : i32
        %mul3A_121 = arith.constant 160 : i32
        %mul3A_122 = arith.muli %add3A, %mul3A_121 : i32
        %add3A_123 = arith.addi %mul3A_122, %add3A_120 : i32
        "tpu.region"() ({
          %run_scoped3A_138 = tpu.sem_alloc : memref<!tpu.dma_semaphore, #tpu.memory_space<semaphore_mem>>
          %dma_start3A_139 = arith.constant 0 : i32
          %dma_start3A_140 = arith.constant 0 : i32
          %dma_start3A_141 = tpu.memref_slice %arg4[%add3A_123, %dma_start3A_139, %dma_start3A_140] : memref<5120x2x64xi32, #tpu.memory_space<hbm>> -> memref<1x2x64xi32, #tpu.memory_space<hbm>>
          %dma_start3A_142 = tpu.memref_squeeze %dma_start3A_141 : memref<1x2x64xi32, #tpu.memory_space<hbm>> -> memref<2x64xi32, #tpu.memory_space<hbm>>
          %dma_start3A_143 = arith.constant 0 : i32
          %dma_start3A_144 = arith.constant 0 : i32
          %dma_start3A_145 = tpu.memref_slice %arg4[%add3A_123, %dma_start3A_143, %dma_start3A_144] : memref<5120x2x64xi32, #tpu.memory_space<hbm>> -> memref<1x2x64xi32, #tpu.memory_space<hbm>>
          %dma_start3A_146 = tpu.memref_squeeze %dma_start3A_145 : memref<1x2x64xi32, #tpu.memory_space<hbm>> -> memref<2x64xi32, #tpu.memory_space<hbm>>
          tpu.enqueue_dma source(%dma_start3A_146 : memref<2x64xi32, #tpu.memory_space<hbm>>) target(%arg8 : memref<2x64xi32, #tpu.memory_space<vmem>>) target_semaphore(%run_scoped3A_138 : memref<!tpu.dma_semaphore, #tpu.memory_space<semaphore_mem>>)
          %dma_wait3A_147 = arith.constant 0 : i32
          %dma_wait3A_148 = arith.constant 0 : i32
          %dma_wait3A_149 = tpu.memref_slice %arg4[%add3A_123, %dma_wait3A_147, %dma_wait3A_148] : memref<5120x2x64xi32, #tpu.memory_space<hbm>> -> memref<1x2x64xi32, #tpu.memory_space<hbm>>
          %dma_wait3A_150 = tpu.memref_squeeze %dma_wait3A_149 : memref<1x2x64xi32, #tpu.memory_space<hbm>> -> memref<2x64xi32, #tpu.memory_space<hbm>>
          %dma_wait3A_151 = arith.constant 0 : i32
          %dma_wait3A_152 = arith.constant 0 : i32
          %dma_wait3A_153 = tpu.memref_slice %arg4[%add3A_123, %dma_wait3A_151, %dma_wait3A_152] : memref<5120x2x64xi32, #tpu.memory_space<hbm>> -> memref<1x2x64xi32, #tpu.memory_space<hbm>>
          %dma_wait3A_154 = tpu.memref_squeeze %dma_wait3A_153 : memref<1x2x64xi32, #tpu.memory_space<hbm>> -> memref<2x64xi32, #tpu.memory_space<hbm>>
          tpu.wait_dma2 semaphore(%run_scoped3A_138 : memref<!tpu.dma_semaphore, #tpu.memory_space<semaphore_mem>>) src(%dma_wait3A_154 : memref<2x64xi32, #tpu.memory_space<hbm>>) dst(%arg8 : memref<2x64xi32, #tpu.memory_space<vmem>>)
          tpu.yield
        }) : () -> ()
        %dma_start3A_124 = arith.constant 0 : i32
        %dma_start3A_125 = arith.constant 0 : i32
        %dma_start3A_126 = tpu.memref_slice %arg8[%dma_start3A_124, %dma_start3A_125] : memref<2x64xi32, #tpu.memory_space<vmem>> -> memref<1x64xi32, #tpu.memory_space<vmem>>
        %dma_start3A_127 = tpu.memref_squeeze %dma_start3A_126 : memref<1x64xi32, #tpu.memory_space<vmem>> -> memref<64xi32, #tpu.memory_space<vmem>>
        %dma_start3A_128 = arith.constant 0 : i32
        %dma_start3A_129 = arith.constant 0 : i32
        %dma_start3A_130 = tpu.memref_slice %arg2[%dma_start3A_128, %dma_start3A_129] : memref<10240x128xf32, #tpu.memory_space<hbm>> -> memref<10240x128xf32, #tpu.memory_space<hbm>>
        tpu.enqueue_indirect_dma source(%dma_start3A_130 : memref<10240x128xf32, #tpu.memory_space<hbm>>) target(%arg10 : memref<64x128xf32, #tpu.memory_space<vmem>>) offsets(%dma_start3A_127 : memref<64xi32, #tpu.memory_space<vmem>>) semaphore(%arg16 : memref<!tpu.dma_semaphore, #tpu.memory_space<semaphore_mem>>)
        %dma_start3A_131 = arith.constant 1 : i32
        %dma_start3A_132 = arith.constant 0 : i32
        %dma_start3A_133 = tpu.memref_slice %arg8[%dma_start3A_131, %dma_start3A_132] : memref<2x64xi32, #tpu.memory_space<vmem>> -> memref<1x64xi32, #tpu.memory_space<vmem>>
        %dma_start3A_134 = tpu.memref_squeeze %dma_start3A_133 : memref<1x64xi32, #tpu.memory_space<vmem>> -> memref<64xi32, #tpu.memory_space<vmem>>
        %dma_start3A_135 = arith.constant 0 : i32
        %dma_start3A_136 = arith.constant 0 : i32
        %dma_start3A_137 = tpu.memref_slice %arg3[%dma_start3A_135, %dma_start3A_136] : memref<10240x128xf32, #tpu.memory_space<hbm>> -> memref<10240x128xf32, #tpu.memory_space<hbm>>
        tpu.enqueue_indirect_dma source(%dma_start3A_137 : memref<10240x128xf32, #tpu.memory_space<hbm>>) target(%arg11 : memref<64x128xf32, #tpu.memory_space<vmem>>) offsets(%dma_start3A_134 : memref<64xi32, #tpu.memory_space<vmem>>) semaphore(%arg17 : memref<!tpu.dma_semaphore, #tpu.memory_space<semaphore_mem>>)
      } else {
      }
      %scan3A_84 = arith.constant 0 : i32
      %scan3A_85 = arith.constant 0 : i32
      %scan3A_86 = arith.constant 0 : i32
      %scan3A_87 = arith.constant 4 : i32
      %scan3A_88 = arith.addi %scan3A_86, %scan3A_87 : i32
      %scan3A_89 = arith.constant 1 : i32
      scf.for %scan3A_117 = %scan3A_86 to %scan3A_88 step %scan3A_89  : i32 {
        %mul3A_118 = arith.constant 16 : i32
        %mul3A_119 = arith.muli %scan3A_117, %mul3A_118 : i32
        %get3A = arith.constant 0 : i32
        %get3A_120 = tpu.memref_slice %arg9[%scan3A_85, %get3A] : memref<2x64xi32, #tpu.memory_space<vmem>> -> memref<1x64xi32, #tpu.memory_space<vmem>>
        %get3A_121 = tpu.memref_squeeze %get3A_120 : memref<1x64xi32, #tpu.memory_space<vmem>> -> memref<64xi32, #tpu.memory_space<vmem>>
        %get3A_122 = arith.index_cast %mul3A_119 : i32 to index
        %get3A_123 = tpu.vector_load %get3A_121[%get3A_122] {strides = array<i32>} : memref<64xi32, #tpu.memory_space<vmem>>, vector<16xi32>,
        %broadcast_in_dim3A_124 = arith.constant true
        %broadcast_in_dim3A_125 = vector.broadcast %broadcast_in_dim3A_124 : i1 to vector<16xi1>
        %unique3A, %unique3A_126 = tpu.scan_count mask(%broadcast_in_dim3A_125 : vector<16xi1>) value(%get3A_123 : vector<16xi32>) : vector<16xi1>, vector<16xi32>
        %convert_element_type3A_127 = arith.sitofp %unique3A_126 : vector<16xi32> to vector<16xf32>
        tpu.vector_store_idx %arg14[%get3A_123], %convert_element_type3A_127 masked %unique3A {add = true} : memref<10240xf32, #tpu.memory_space<vmem>>[vector<16xi32>], vector<16xf32>, vector<16xi1>
      }
      %scan3A_90 = arith.constant 4 : i32
      %dma_wait3A_91 = arith.constant 0 : i32
      %dma_wait3A_92 = arith.constant 0 : i32
      %dma_wait3A_93 = tpu.memref_slice %arg9[%dma_wait3A_91, %dma_wait3A_92] : memref<2x64xi32, #tpu.memory_space<vmem>> -> memref<1x64xi32, #tpu.memory_space<vmem>>
      %dma_wait3A_94 = tpu.memref_squeeze %dma_wait3A_93 : memref<1x64xi32, #tpu.memory_space<vmem>> -> memref<64xi32, #tpu.memory_space<vmem>>
      %dma_wait3A_95 = arith.constant 0 : i32
      %dma_wait3A_96 = arith.constant 0 : i32
      %dma_wait3A_97 = tpu.memref_slice %arg2[%dma_wait3A_95, %dma_wait3A_96] : memref<10240x128xf32, #tpu.memory_space<hbm>> -> memref<10240x128xf32, #tpu.memory_space<hbm>>
      tpu.wait_indirect_dma semaphore(%arg18 : memref<!tpu.dma_semaphore, #tpu.memory_space<semaphore_mem>>) src(%dma_wait3A_97 : memref<10240x128xf32, #tpu.memory_space<hbm>>) dst(%arg12 : memref<64x128xf32, #tpu.memory_space<vmem>>)
      %dma_wait3A_98 = arith.constant 1 : i32
      %dma_wait3A_99 = arith.constant 0 : i32
      %dma_wait3A_100 = tpu.memref_slice %arg9[%dma_wait3A_98, %dma_wait3A_99] : memref<2x64xi32, #tpu.memory_space<vmem>> -> memref<1x64xi32, #tpu.memory_space<vmem>>
      %dma_wait3A_101 = tpu.memref_squeeze %dma_wait3A_100 : memref<1x64xi32, #tpu.memory_space<vmem>> -> memref<64xi32, #tpu.memory_space<vmem>>
      %dma_wait3A_102 = arith.constant 0 : i32
      %dma_wait3A_103 = arith.constant 0 : i32
      %dma_wait3A_104 = tpu.memref_slice %arg3[%dma_wait3A_102, %dma_wait3A_103] : memref<10240x128xf32, #tpu.memory_space<hbm>> -> memref<10240x128xf32, #tpu.memory_space<hbm>>
      tpu.wait_indirect_dma semaphore(%arg19 : memref<!tpu.dma_semaphore, #tpu.memory_space<semaphore_mem>>) src(%dma_wait3A_104 : memref<10240x128xf32, #tpu.memory_space<hbm>>) dst(%arg13 : memref<64x128xf32, #tpu.memory_space<vmem>>)
      %scan3A_105 = arith.constant 0 : i32
      %scan3A_106 = arith.constant 0 : i32
      %scan3A_107 = arith.constant 64 : i32
      %scan3A_108 = arith.addi %scan3A_106, %scan3A_107 : i32
      %scan3A_109 = arith.constant 1 : i32
      scf.for %scan3A_117 = %scan3A_106 to %scan3A_108 step %scan3A_109  : i32 {
        %get3A = arith.index_cast %scan3A_117 : i32 to index
        %get3A_118 = arith.constant 0 : index
        %get3A_119 = tpu.vector_load %arg12[%get3A, %get3A_118] {strides = array<i32>} : memref<64x128xf32, #tpu.memory_space<vmem>>, vector<16xf32>,
        %get3A_120 = arith.index_cast %scan3A_117 : i32 to index
        %get3A_121 = arith.constant 0 : index
        %get3A_122 = tpu.vector_load %arg13[%get3A_120, %get3A_121] {strides = array<i32>} : memref<64x128xf32, #tpu.memory_space<vmem>>, vector<16xf32>,
        %add3A_123 = arith.addf %get3A_119, %get3A_122 : vector<16xf32>
        %max3A = arith.constant 0.000000e+00 : f32
        %max3A_124 = vector.broadcast %max3A : f32 to vector<16xf32>
        %max3A_125 = arith.maximumf %add3A_123, %max3A_124 : vector<16xf32>
        %swap3A = arith.index_cast %scan3A_117 : i32 to index
        %swap3A_126 = arith.constant 0 : index
        %swap3A_127 = tpu.vector_load %arg12[%swap3A, %swap3A_126] {strides = array<i32>} : memref<64x128xf32, #tpu.memory_space<vmem>>, vector<16xf32>,
        tpu.vector_store %arg12[%swap3A, %swap3A_126], %max3A_125 {strides = array<i32>} : memref<64x128xf32, #tpu.memory_space<vmem>>, vector<16xf32>,
        %get3A_128 = arith.index_cast %scan3A_117 : i32 to index
        %get3A_129 = arith.constant 16 : index
        %get3A_130 = tpu.vector_load %arg12[%get3A_128, %get3A_129] {strides = array<i32>} : memref<64x128xf32, #tpu.memory_space<vmem>>, vector<16xf32>,
        %get3A_131 = arith.index_cast %scan3A_117 : i32 to index
        %get3A_132 = arith.constant 16 : index
        %get3A_133 = tpu.vector_load %arg13[%get3A_131, %get3A_132] {strides = array<i32>} : memref<64x128xf32, #tpu.memory_space<vmem>>, vector<16xf32>,
        %add3A_134 = arith.addf %get3A_130, %get3A_133 : vector<16xf32>
        %max3A_135 = arith.constant 0.000000e+00 : f32
        %max3A_136 = vector.broadcast %max3A_135 : f32 to vector<16xf32>
        %max3A_137 = arith.maximumf %add3A_134, %max3A_136 : vector<16xf32>
        %swap3A_138 = arith.index_cast %scan3A_117 : i32 to index
        %swap3A_139 = arith.constant 16 : index
        %swap3A_140 = tpu.vector_load %arg12[%swap3A_138, %swap3A_139] {strides = array<i32>} : memref<64x128xf32, #tpu.memory_space<vmem>>, vector<16xf32>,
        tpu.vector_store %arg12[%swap3A_138, %swap3A_139], %max3A_137 {strides = array<i32>} : memref<64x128xf32, #tpu.memory_space<vmem>>, vector<16xf32>,
        %get3A_141 = arith.index_cast %scan3A_117 : i32 to index
        %get3A_142 = arith.constant 32 : index
        %get3A_143 = tpu.vector_load %arg12[%get3A_141, %get3A_142] {strides = array<i32>} : memref<64x128xf32, #tpu.memory_space<vmem>>, vector<16xf32>,
        %get3A_144 = arith.index_cast %scan3A_117 : i32 to index
        %get3A_145 = arith.constant 32 : index
        %get3A_146 = tpu.vector_load %arg13[%get3A_144, %get3A_145] {strides = array<i32>} : memref<64x128xf32, #tpu.memory_space<vmem>>, vector<16xf32>,
        %add3A_147 = arith.addf %get3A_143, %get3A_146 : vector<16xf32>
        %max3A_148 = arith.constant 0.000000e+00 : f32
        %max3A_149 = vector.broadcast %max3A_148 : f32 to vector<16xf32>
        %max3A_150 = arith.maximumf %add3A_147, %max3A_149 : vector<16xf32>
        %swap3A_151 = arith.index_cast %scan3A_117 : i32 to index
        %swap3A_152 = arith.constant 32 : index
        %swap3A_153 = tpu.vector_load %arg12[%swap3A_151, %swap3A_152] {strides = array<i32>} : memref<64x128xf32, #tpu.memory_space<vmem>>, vector<16xf32>,
        tpu.vector_store %arg12[%swap3A_151, %swap3A_152], %max3A_150 {strides = array<i32>} : memref<64x128xf32, #tpu.memory_space<vmem>>, vector<16xf32>,
        %get3A_154 = arith.index_cast %scan3A_117 : i32 to index
        %get3A_155 = arith.constant 48 : index
        %get3A_156 = tpu.vector_load %arg12[%get3A_154, %get3A_155] {strides = array<i32>} : memref<64x128xf32, #tpu.memory_space<vmem>>, vector<16xf32>,
        %get3A_157 = arith.index_cast %scan3A_117 : i32 to index
        %get3A_158 = arith.constant 48 : index
        %get3A_159 = tpu.vector_load %arg13[%get3A_157, %get3A_158] {strides = array<i32>} : memref<64x128xf32, #tpu.memory_space<vmem>>, vector<16xf32>,
        %add3A_160 = arith.addf %get3A_156, %get3A_159 : vector<16xf32>
        %max3A_161 = arith.constant 0.000000e+00 : f32
        %max3A_162 = vector.broadcast %max3A_161 : f32 to vector<16xf32>
        %max3A_163 = arith.maximumf %add3A_160, %max3A_162 : vector<16xf32>
        %swap3A_164 = arith.index_cast %scan3A_117 : i32 to index
        %swap3A_165 = arith.constant 48 : index
        %swap3A_166 = tpu.vector_load %arg12[%swap3A_164, %swap3A_165] {strides = array<i32>} : memref<64x128xf32, #tpu.memory_space<vmem>>, vector<16xf32>,
        tpu.vector_store %arg12[%swap3A_164, %swap3A_165], %max3A_163 {strides = array<i32>} : memref<64x128xf32, #tpu.memory_space<vmem>>, vector<16xf32>,
        %get3A_167 = arith.index_cast %scan3A_117 : i32 to index
        %get3A_168 = arith.constant 64 : index
        %get3A_169 = tpu.vector_load %arg12[%get3A_167, %get3A_168] {strides = array<i32>} : memref<64x128xf32, #tpu.memory_space<vmem>>, vector<16xf32>,
        %get3A_170 = arith.index_cast %scan3A_117 : i32 to index
        %get3A_171 = arith.constant 64 : index
        %get3A_172 = tpu.vector_load %arg13[%get3A_170, %get3A_171] {strides = array<i32>} : memref<64x128xf32, #tpu.memory_space<vmem>>, vector<16xf32>,
        %add3A_173 = arith.addf %get3A_169, %get3A_172 : vector<16xf32>
        %max3A_174 = arith.constant 0.000000e+00 : f32
        %max3A_175 = vector.broadcast %max3A_174 : f32 to vector<16xf32>
        %max3A_176 = arith.maximumf %add3A_173, %max3A_175 : vector<16xf32>
        %swap3A_177 = arith.index_cast %scan3A_117 : i32 to index
        %swap3A_178 = arith.constant 64 : index
        %swap3A_179 = tpu.vector_load %arg12[%swap3A_177, %swap3A_178] {strides = array<i32>} : memref<64x128xf32, #tpu.memory_space<vmem>>, vector<16xf32>,
        tpu.vector_store %arg12[%swap3A_177, %swap3A_178], %max3A_176 {strides = array<i32>} : memref<64x128xf32, #tpu.memory_space<vmem>>, vector<16xf32>,
        %get3A_180 = arith.index_cast %scan3A_117 : i32 to index
        %get3A_181 = arith.constant 80 : index
        %get3A_182 = tpu.vector_load %arg12[%get3A_180, %get3A_181] {strides = array<i32>} : memref<64x128xf32, #tpu.memory_space<vmem>>, vector<16xf32>,
        %get3A_183 = arith.index_cast %scan3A_117 : i32 to index
        %get3A_184 = arith.constant 80 : index
        %get3A_185 = tpu.vector_load %arg13[%get3A_183, %get3A_184] {strides = array<i32>} : memref<64x128xf32, #tpu.memory_space<vmem>>, vector<16xf32>,
        %add3A_186 = arith.addf %get3A_182, %get3A_185 : vector<16xf32>
        %max3A_187 = arith.constant 0.000000e+00 : f32
        %max3A_188 = vector.broadcast %max3A_187 : f32 to vector<16xf32>
        %max3A_189 = arith.maximumf %add3A_186, %max3A_188 : vector<16xf32>
        %swap3A_190 = arith.index_cast %scan3A_117 : i32 to index
        %swap3A_191 = arith.constant 80 : index
        %swap3A_192 = tpu.vector_load %arg12[%swap3A_190, %swap3A_191] {strides = array<i32>} : memref<64x128xf32, #tpu.memory_space<vmem>>, vector<16xf32>,
        tpu.vector_store %arg12[%swap3A_190, %swap3A_191], %max3A_189 {strides = array<i32>} : memref<64x128xf32, #tpu.memory_space<vmem>>, vector<16xf32>,
        %get3A_193 = arith.index_cast %scan3A_117 : i32 to index
        %get3A_194 = arith.constant 96 : index
        %get3A_195 = tpu.vector_load %arg12[%get3A_193, %get3A_194] {strides = array<i32>} : memref<64x128xf32, #tpu.memory_space<vmem>>, vector<16xf32>,
        %get3A_196 = arith.index_cast %scan3A_117 : i32 to index
        %get3A_197 = arith.constant 96 : index
        %get3A_198 = tpu.vector_load %arg13[%get3A_196, %get3A_197] {strides = array<i32>} : memref<64x128xf32, #tpu.memory_space<vmem>>, vector<16xf32>,
        %add3A_199 = arith.addf %get3A_195, %get3A_198 : vector<16xf32>
        %max3A_200 = arith.constant 0.000000e+00 : f32
        %max3A_201 = vector.broadcast %max3A_200 : f32 to vector<16xf32>
        %max3A_202 = arith.maximumf %add3A_199, %max3A_201 : vector<16xf32>
        %swap3A_203 = arith.index_cast %scan3A_117 : i32 to index
        %swap3A_204 = arith.constant 96 : index
        %swap3A_205 = tpu.vector_load %arg12[%swap3A_203, %swap3A_204] {strides = array<i32>} : memref<64x128xf32, #tpu.memory_space<vmem>>, vector<16xf32>,
        tpu.vector_store %arg12[%swap3A_203, %swap3A_204], %max3A_202 {strides = array<i32>} : memref<64x128xf32, #tpu.memory_space<vmem>>, vector<16xf32>,
        %get3A_206 = arith.index_cast %scan3A_117 : i32 to index
        %get3A_207 = arith.constant 112 : index
        %get3A_208 = tpu.vector_load %arg12[%get3A_206, %get3A_207] {strides = array<i32>} : memref<64x128xf32, #tpu.memory_space<vmem>>, vector<16xf32>,
        %get3A_209 = arith.index_cast %scan3A_117 : i32 to index
        %get3A_210 = arith.constant 112 : index
        %get3A_211 = tpu.vector_load %arg13[%get3A_209, %get3A_210] {strides = array<i32>} : memref<64x128xf32, #tpu.memory_space<vmem>>, vector<16xf32>,
        %add3A_212 = arith.addf %get3A_208, %get3A_211 : vector<16xf32>
        %max3A_213 = arith.constant 0.000000e+00 : f32
        %max3A_214 = vector.broadcast %max3A_213 : f32 to vector<16xf32>
        %max3A_215 = arith.maximumf %add3A_212, %max3A_214 : vector<16xf32>
        %swap3A_216 = arith.index_cast %scan3A_117 : i32 to index
        %swap3A_217 = arith.constant 112 : index
        %swap3A_218 = tpu.vector_load %arg12[%swap3A_216, %swap3A_217] {strides = array<i32>} : memref<64x128xf32, #tpu.memory_space<vmem>>, vector<16xf32>,
        tpu.vector_store %arg12[%swap3A_216, %swap3A_217], %max3A_215 {strides = array<i32>} : memref<64x128xf32, #tpu.memory_space<vmem>>, vector<16xf32>,
      }
      %scan3A_110 = arith.constant 64 : i32
      %run_scoped3A_111 = arith.constant 0 : i32
      "tpu.region"() ({
        %run_scoped3A_117 = tpu.sem_alloc : memref<!tpu.dma_semaphore, #tpu.memory_space<semaphore_mem>>
        %dma_start3A_118 = arith.constant 0 : i32
        %dma_start3A_119 = tpu.memref_slice %arg9[%run_scoped3A_111, %dma_start3A_118] : memref<2x64xi32, #tpu.memory_space<vmem>> -> memref<1x64xi32, #tpu.memory_space<vmem>>
        %dma_start3A_120 = tpu.memref_squeeze %dma_start3A_119 : memref<1x64xi32, #tpu.memory_space<vmem>> -> memref<64xi32, #tpu.memory_space<vmem>>
        %dma_start3A_121 = arith.constant 0 : i32
        %dma_start3A_122 = arith.constant 0 : i32
        %dma_start3A_123 = tpu.memref_slice %arg15[%dma_start3A_121, %dma_start3A_122] : memref<10240x128xf32, #tpu.memory_space<vmem_shared>> -> memref<10240x128xf32, #tpu.memory_space<vmem_shared>>
        tpu.enqueue_indirect_dma source(%arg12 : memref<64x128xf32, #tpu.memory_space<vmem>>) target(%dma_start3A_123 : memref<10240x128xf32, #tpu.memory_space<vmem_shared>>) offsets(%dma_start3A_120 : memref<64xi32, #tpu.memory_space<vmem>>) semaphore(%run_scoped3A_117 : memref<!tpu.dma_semaphore, #tpu.memory_space<semaphore_mem>>) {add = true}
        %dma_wait3A_124 = arith.constant 0 : i32
        %dma_wait3A_125 = tpu.memref_slice %arg9[%run_scoped3A_111, %dma_wait3A_124] : memref<2x64xi32, #tpu.memory_space<vmem>> -> memref<1x64xi32, #tpu.memory_space<vmem>>
        %dma_wait3A_126 = tpu.memref_squeeze %dma_wait3A_125 : memref<1x64xi32, #tpu.memory_space<vmem>> -> memref<64xi32, #tpu.memory_space<vmem>>
        %dma_wait3A_127 = arith.constant 0 : i32
        %dma_wait3A_128 = arith.constant 0 : i32
        %dma_wait3A_129 = tpu.memref_slice %arg15[%dma_wait3A_127, %dma_wait3A_128] : memref<10240x128xf32, #tpu.memory_space<vmem_shared>> -> memref<10240x128xf32, #tpu.memory_space<vmem_shared>>
        tpu.wait_indirect_dma semaphore(%run_scoped3A_117 : memref<!tpu.dma_semaphore, #tpu.memory_space<semaphore_mem>>) src(%arg12 : memref<64x128xf32, #tpu.memory_space<vmem>>) dst(%dma_wait3A_129 : memref<10240x128xf32, #tpu.memory_space<vmem_shared>>)
        tpu.yield
      }) : () -> ()
      %lt3A_112 = arith.constant 79 : i32
      %lt3A_113 = arith.cmpi slt, %scan3A_55, %lt3A_112 : i32
      %convert_element_type3A_114 = arith.extui %lt3A_113 : i1 to i32
      %cond3A_115 = arith.constant 0 : i32
      %cond3A_116 = arith.cmpi ne, %convert_element_type3A_114, %cond3A_115 : i32
      scf.if %cond3A_116 {
        %mul3A_117 = arith.constant 2 : i32
        %mul3A_118 = arith.muli %mul3A_117, %scan3A_55 : i32
        %add3A_119 = arith.constant 3 : i32
        %add3A_120 = arith.addi %mul3A_118, %add3A_119 : i32
        %mul3A_121 = arith.constant 160 : i32
        %mul3A_122 = arith.muli %add3A, %mul3A_121 : i32
        %add3A_123 = arith.addi %mul3A_122, %add3A_120 : i32
        "tpu.region"() ({
          %run_scoped3A_138 = tpu.sem_alloc : memref<!tpu.dma_semaphore, #tpu.memory_space<semaphore_mem>>
          %dma_start3A_139 = arith.constant 0 : i32
          %dma_start3A_140 = arith.constant 0 : i32
          %dma_start3A_141 = tpu.memref_slice %arg4[%add3A_123, %dma_start3A_139, %dma_start3A_140] : memref<5120x2x64xi32, #tpu.memory_space<hbm>> -> memref<1x2x64xi32, #tpu.memory_space<hbm>>
          %dma_start3A_142 = tpu.memref_squeeze %dma_start3A_141 : memref<1x2x64xi32, #tpu.memory_space<hbm>> -> memref<2x64xi32, #tpu.memory_space<hbm>>
          %dma_start3A_143 = arith.constant 0 : i32
          %dma_start3A_144 = arith.constant 0 : i32
          %dma_start3A_145 = tpu.memref_slice %arg4[%add3A_123, %dma_start3A_143, %dma_start3A_144] : memref<5120x2x64xi32, #tpu.memory_space<hbm>> -> memref<1x2x64xi32, #tpu.memory_space<hbm>>
          %dma_start3A_146 = tpu.memref_squeeze %dma_start3A_145 : memref<1x2x64xi32, #tpu.memory_space<hbm>> -> memref<2x64xi32, #tpu.memory_space<hbm>>
          tpu.enqueue_dma source(%dma_start3A_146 : memref<2x64xi32, #tpu.memory_space<hbm>>) target(%arg9 : memref<2x64xi32, #tpu.memory_space<vmem>>) target_semaphore(%run_scoped3A_138 : memref<!tpu.dma_semaphore, #tpu.memory_space<semaphore_mem>>)
          %dma_wait3A_147 = arith.constant 0 : i32
          %dma_wait3A_148 = arith.constant 0 : i32
          %dma_wait3A_149 = tpu.memref_slice %arg4[%add3A_123, %dma_wait3A_147, %dma_wait3A_148] : memref<5120x2x64xi32, #tpu.memory_space<hbm>> -> memref<1x2x64xi32, #tpu.memory_space<hbm>>
          %dma_wait3A_150 = tpu.memref_squeeze %dma_wait3A_149 : memref<1x2x64xi32, #tpu.memory_space<hbm>> -> memref<2x64xi32, #tpu.memory_space<hbm>>
          %dma_wait3A_151 = arith.constant 0 : i32
          %dma_wait3A_152 = arith.constant 0 : i32
          %dma_wait3A_153 = tpu.memref_slice %arg4[%add3A_123, %dma_wait3A_151, %dma_wait3A_152] : memref<5120x2x64xi32, #tpu.memory_space<hbm>> -> memref<1x2x64xi32, #tpu.memory_space<hbm>>
          %dma_wait3A_154 = tpu.memref_squeeze %dma_wait3A_153 : memref<1x2x64xi32, #tpu.memory_space<hbm>> -> memref<2x64xi32, #tpu.memory_space<hbm>>
          tpu.wait_dma2 semaphore(%run_scoped3A_138 : memref<!tpu.dma_semaphore, #tpu.memory_space<semaphore_mem>>) src(%dma_wait3A_154 : memref<2x64xi32, #tpu.memory_space<hbm>>) dst(%arg9 : memref<2x64xi32, #tpu.memory_space<vmem>>)
          tpu.yield
        }) : () -> ()
        %dma_start3A_124 = arith.constant 0 : i32
        %dma_start3A_125 = arith.constant 0 : i32
        %dma_start3A_126 = tpu.memref_slice %arg9[%dma_start3A_124, %dma_start3A_125] : memref<2x64xi32, #tpu.memory_space<vmem>> -> memref<1x64xi32, #tpu.memory_space<vmem>>
        %dma_start3A_127 = tpu.memref_squeeze %dma_start3A_126 : memref<1x64xi32, #tpu.memory_space<vmem>> -> memref<64xi32, #tpu.memory_space<vmem>>
        %dma_start3A_128 = arith.constant 0 : i32
        %dma_start3A_129 = arith.constant 0 : i32
        %dma_start3A_130 = tpu.memref_slice %arg2[%dma_start3A_128, %dma_start3A_129] : memref<10240x128xf32, #tpu.memory_space<hbm>> -> memref<10240x128xf32, #tpu.memory_space<hbm>>
        tpu.enqueue_indirect_dma source(%dma_start3A_130 : memref<10240x128xf32, #tpu.memory_space<hbm>>) target(%arg12 : memref<64x128xf32, #tpu.memory_space<vmem>>) offsets(%dma_start3A_127 : memref<64xi32, #tpu.memory_space<vmem>>) semaphore(%arg18 : memref<!tpu.dma_semaphore, #tpu.memory_space<semaphore_mem>>)
        %dma_start3A_131 = arith.constant 1 : i32
        %dma_start3A_132 = arith.constant 0 : i32
        %dma_start3A_133 = tpu.memref_slice %arg9[%dma_start3A_131, %dma_start3A_132] : memref<2x64xi32, #tpu.memory_space<vmem>> -> memref<1x64xi32, #tpu.memory_space<vmem>>
        %dma_start3A_134 = tpu.memref_squeeze %dma_start3A_133 : memref<1x64xi32, #tpu.memory_space<vmem>> -> memref<64xi32, #tpu.memory_space<vmem>>
        %dma_start3A_135 = arith.constant 0 : i32
        %dma_start3A_136 = arith.constant 0 : i32
        %dma_start3A_137 = tpu.memref_slice %arg3[%dma_start3A_135, %dma_start3A_136] : memref<10240x128xf32, #tpu.memory_space<hbm>> -> memref<10240x128xf32, #tpu.memory_space<hbm>>
        tpu.enqueue_indirect_dma source(%dma_start3A_137 : memref<10240x128xf32, #tpu.memory_space<hbm>>) target(%arg13 : memref<64x128xf32, #tpu.memory_space<vmem>>) offsets(%dma_start3A_134 : memref<64xi32, #tpu.memory_space<vmem>>) semaphore(%arg19 : memref<!tpu.dma_semaphore, #tpu.memory_space<semaphore_mem>>)
      } else {
      }
    }
    %scan3A_51 = arith.constant 80 : i32
    %barrier3A_52 = arith.constant 0 : index
    tpu.barrier barrier_id(%barrier3A_52)
    %mul3A_53 = arith.constant 640 : i32
    %mul3A_54 = arith.muli %arg1, %mul3A_53 : i32
    "tpu.region"() ({
      %run_scoped3A = tpu.sem_alloc : memref<!tpu.dma_semaphore, #tpu.memory_space<semaphore_mem>>
      %dma_start3A_55 = arith.constant 0 : i32
      %dma_start3A_56 = tpu.memref_slice %arg6[%arg0, %mul3A_54, %dma_start3A_55] : memref<2x10240x128xf32, #tpu.memory_space<hbm>> -> memref<1x640x128xf32, #tpu.memory_space<hbm>>
      %dma_start3A_57 = tpu.memref_squeeze %dma_start3A_56 : memref<1x640x128xf32, #tpu.memory_space<hbm>> -> memref<640x128xf32, #tpu.memory_space<hbm>>
      %dma_start3A_58 = arith.constant 0 : i32
      %dma_start3A_59 = tpu.memref_slice %arg15[%mul3A_54, %dma_start3A_58] : memref<10240x128xf32, #tpu.memory_space<vmem_shared>> -> memref<640x128xf32, #tpu.memory_space<vmem_shared>>
      tpu.enqueue_dma source(%dma_start3A_59 : memref<640x128xf32, #tpu.memory_space<vmem_shared>>) target(%dma_start3A_57 : memref<640x128xf32, #tpu.memory_space<hbm>>) target_semaphore(%run_scoped3A : memref<!tpu.dma_semaphore, #tpu.memory_space<semaphore_mem>>)
      %dma_wait3A = arith.constant 0 : i32
      %dma_wait3A_60 = tpu.memref_slice %arg6[%arg0, %mul3A_54, %dma_wait3A] : memref<2x10240x128xf32, #tpu.memory_space<hbm>> -> memref<1x640x128xf32, #tpu.memory_space<hbm>>
      %dma_wait3A_61 = tpu.memref_squeeze %dma_wait3A_60 : memref<1x640x128xf32, #tpu.memory_space<hbm>> -> memref<640x128xf32, #tpu.memory_space<hbm>>
      %dma_wait3A_62 = arith.constant 0 : i32
      %dma_wait3A_63 = tpu.memref_slice %arg15[%mul3A_54, %dma_wait3A_62] : memref<10240x128xf32, #tpu.memory_space<vmem_shared>> -> memref<640x128xf32, #tpu.memory_space<vmem_shared>>
      tpu.wait_dma2 semaphore(%run_scoped3A : memref<!tpu.dma_semaphore, #tpu.memory_space<semaphore_mem>>) src(%dma_wait3A_63 : memref<640x128xf32, #tpu.memory_space<vmem_shared>>) dst(%dma_wait3A_61 : memref<640x128xf32, #tpu.memory_space<hbm>>)
      tpu.yield
    }) : () -> ()
    "tpu.region"() ({
      %run_scoped3A = tpu.sem_alloc : memref<!tpu.dma_semaphore, #tpu.memory_space<semaphore_mem>>
      %dma_start3A_55 = arith.constant 0 : i32
      %dma_start3A_56 = tpu.memref_slice %arg7[%add3A, %dma_start3A_55] : memref<32x10240xf32, #tpu.memory_space<hbm>> -> memref<1x10240xf32, #tpu.memory_space<hbm>>
      %dma_start3A_57 = tpu.memref_squeeze %dma_start3A_56 : memref<1x10240xf32, #tpu.memory_space<hbm>> -> memref<10240xf32, #tpu.memory_space<hbm>>
      %dma_start3A_58 = arith.constant 0 : i32
      %dma_start3A_59 = tpu.memref_slice %arg7[%add3A, %dma_start3A_58] : memref<32x10240xf32, #tpu.memory_space<hbm>> -> memref<1x10240xf32, #tpu.memory_space<hbm>>
      %dma_start3A_60 = tpu.memref_squeeze %dma_start3A_59 : memref<1x10240xf32, #tpu.memory_space<hbm>> -> memref<10240xf32, #tpu.memory_space<hbm>>
      tpu.enqueue_dma source(%arg14 : memref<10240xf32, #tpu.memory_space<vmem>>) target(%dma_start3A_60 : memref<10240xf32, #tpu.memory_space<hbm>>) target_semaphore(%run_scoped3A : memref<!tpu.dma_semaphore, #tpu.memory_space<semaphore_mem>>)
      %dma_wait3A = arith.constant 0 : i32
      %dma_wait3A_61 = tpu.memref_slice %arg7[%add3A, %dma_wait3A] : memref<32x10240xf32, #tpu.memory_space<hbm>> -> memref<1x10240xf32, #tpu.memory_space<hbm>>
      %dma_wait3A_62 = tpu.memref_squeeze %dma_wait3A_61 : memref<1x10240xf32, #tpu.memory_space<hbm>> -> memref<10240xf32, #tpu.memory_space<hbm>>
      %dma_wait3A_63 = arith.constant 0 : i32
      %dma_wait3A_64 = tpu.memref_slice %arg7[%add3A, %dma_wait3A_63] : memref<32x10240xf32, #tpu.memory_space<hbm>> -> memref<1x10240xf32, #tpu.memory_space<hbm>>
      %dma_wait3A_65 = tpu.memref_squeeze %dma_wait3A_64 : memref<1x10240xf32, #tpu.memory_space<hbm>> -> memref<10240xf32, #tpu.memory_space<hbm>>
      tpu.wait_dma2 semaphore(%run_scoped3A : memref<!tpu.dma_semaphore, #tpu.memory_space<semaphore_mem>>) src(%arg14 : memref<10240xf32, #tpu.memory_space<vmem>>) dst(%dma_wait3A_65 : memref<10240xf32, #tpu.memory_space<hbm>>)
      tpu.yield
    }) : () -> ()
    return
  }
}

module attributes {stable_mosaic.version = 14 : i64} {
  func.func @_pre_body(%arg0: i32, %arg1: memref<1024x1xf32, #tpu.memory_space<vmem>>, %arg2: memref<1024x3xf32, #tpu.memory_space<vmem>>, %arg3: memref<1x128xf32, #tpu.memory_space<vmem>>, %arg4: memref<1x128xf32, #tpu.memory_space<vmem>>, %arg5: memref<134x128xf32, #tpu.memory_space<vmem>>, %arg6: memref<1x128xf32, #tpu.memory_space<vmem>>, %arg7: memref<1024x128xf32, #tpu.memory_space<vmem>>, %arg8: memref<1024x128xf32, #tpu.memory_space<vmem>>, %arg9: memref<1024x128xf32, #tpu.memory_space<vmem>>) attributes {dimension_semantics = [#tpu.dimension_semantics<arbitrary>], iteration_bounds = array<i64: 10>, scalar_prefetch = 0 : i64, scratch_operands = 0 : i64, tpu.core_type = #tpu.core_type<tc>, window_params = [{transform_indices = @transform_0, window_bounds = array<i64: 1024, 1>}, {transform_indices = @transform_1, window_bounds = array<i64: 1024, 3>}, {pipeline_mode = #tpu.pipeline_mode<synchronous>, transform_indices = @transform_2, window_bounds = array<i64: 1, 128>}, {pipeline_mode = #tpu.pipeline_mode<synchronous>, transform_indices = @transform_3, window_bounds = array<i64: 1, 128>}, {pipeline_mode = #tpu.pipeline_mode<synchronous>, transform_indices = @transform_4, window_bounds = array<i64: 134, 128>}, {pipeline_mode = #tpu.pipeline_mode<synchronous>, transform_indices = @transform_5, window_bounds = array<i64: 1, 128>}, {transform_indices = @transform_6, window_bounds = array<i64: 1024, 128>}, {transform_indices = @transform_7, window_bounds = array<i64: 1024, 128>}, {transform_indices = @transform_8, window_bounds = array<i64: 1024, 128>}]} {
    %get3A = arith.constant 0 : index
    %get3A_0 = arith.constant 0 : index
    %get3A_1 = vector.load %arg1[%get3A, %get3A_0] : memref<1024x1xf32, #tpu.memory_space<vmem>>, vector<1024x1xf32>
    %get3A_2 = arith.constant 0 : index
    %get3A_3 = arith.constant 0 : index
    %get3A_4 = vector.load %arg3[%get3A_2, %get3A_3] : memref<1x128xf32, #tpu.memory_space<vmem>>, vector<1x128xf32>
    %dot_general3A = arith.constant dense<0.000000e+00> : vector<1024x128xf32>
    %dot_general3A_5 = tpu.matmul %get3A_1, %get3A_4, %dot_general3A {dimension_numbers = #tpu.dot_dimension_numbers<[1], [0], [0], [1], [0, 0, 1, 1], [], []>, precision = #tpu.contract_precision<fp32>, transpose_lhs_hint = false} : vector<1024x1xf32>, vector<1x128xf32>, vector<1024x128xf32> -> vector<1024x128xf32>
    %get3A_6 = arith.constant 0 : index
    %get3A_7 = arith.constant 0 : index
    %get3A_8 = vector.load %arg4[%get3A_6, %get3A_7] : memref<1x128xf32, #tpu.memory_space<vmem>>, vector<1x128xf32>
    %add3A = vector.broadcast %get3A_8 : vector<1x128xf32> to vector<1024x128xf32>
    %add3A_9 = arith.addf %dot_general3A_5, %add3A : vector<1024x128xf32>
    %get3A_10 = arith.constant 0 : index
    %get3A_11 = arith.constant 0 : index
    %get3A_12 = vector.load %arg2[%get3A_10, %get3A_11] : memref<1024x3xf32, #tpu.memory_space<vmem>>, vector<1024x3xf32>
    %get3A_13 = arith.constant 0 : index
    %get3A_14 = arith.constant 0 : index
    %get3A_15 = vector.load %arg5[%get3A_13, %get3A_14] : memref<134x128xf32, #tpu.memory_space<vmem>>, vector<3x128xf32>
    %dot_general3A_16 = arith.constant dense<0.000000e+00> : vector<1024x128xf32>
    %dot_general3A_17 = tpu.matmul %get3A_12, %get3A_15, %dot_general3A_16 {dimension_numbers = #tpu.dot_dimension_numbers<[1], [0], [0], [1], [0, 0, 1, 1], [], []>, precision = #tpu.contract_precision<fp32>, transpose_lhs_hint = false} : vector<1024x3xf32>, vector<3x128xf32>, vector<1024x128xf32> -> vector<1024x128xf32>
    %get3A_18 = arith.constant 0 : index
    %get3A_19 = arith.constant 0 : index
    %get3A_20 = vector.load %arg6[%get3A_18, %get3A_19] : memref<1x128xf32, #tpu.memory_space<vmem>>, vector<1x128xf32>
    %add3A_21 = vector.broadcast %get3A_20 : vector<1x128xf32> to vector<1024x128xf32>
    %add3A_22 = arith.addf %dot_general3A_17, %add3A_21 : vector<1024x128xf32>
    %swap3A = arith.constant 0 : index
    %swap3A_23 = arith.constant 0 : index
    %swap3A_24 = vector.load %arg7[%swap3A, %swap3A_23] : memref<1024x128xf32, #tpu.memory_space<vmem>>, vector<1024x128xf32>
    tpu.vector_store %arg7[%swap3A, %swap3A_23], %add3A_22 {strides = array<i32>} : memref<1024x128xf32, #tpu.memory_space<vmem>>, vector<1024x128xf32>,
    %get3A_25 = arith.constant 3 : index
    %get3A_26 = arith.constant 0 : index
    %get3A_27 = vector.load %arg5[%get3A_25, %get3A_26] : memref<134x128xf32, #tpu.memory_space<vmem>>, vector<3x128xf32>
    %dot_general3A_28 = arith.constant dense<0.000000e+00> : vector<1024x128xf32>
    %dot_general3A_29 = tpu.matmul %get3A_12, %get3A_27, %dot_general3A_28 {dimension_numbers = #tpu.dot_dimension_numbers<[1], [0], [0], [1], [0, 0, 1, 1], [], []>, precision = #tpu.contract_precision<fp32>, transpose_lhs_hint = false} : vector<1024x3xf32>, vector<3x128xf32>, vector<1024x128xf32> -> vector<1024x128xf32>
    %get3A_30 = arith.constant 6 : index
    %get3A_31 = arith.constant 0 : index
    %get3A_32 = vector.load %arg5[%get3A_30, %get3A_31] : memref<134x128xf32, #tpu.memory_space<vmem>>, vector<128x128xf32>
    %dot_general3A_33 = arith.constant dense<0.000000e+00> : vector<1024x128xf32>
    %dot_general3A_34 = tpu.matmul %add3A_9, %get3A_32, %dot_general3A_33 {dimension_numbers = #tpu.dot_dimension_numbers<[1], [0], [0], [1], [0, 0, 1, 1], [], []>, precision = #tpu.contract_precision<fp32>, transpose_lhs_hint = false} : vector<1024x128xf32>, vector<128x128xf32>, vector<1024x128xf32> -> vector<1024x128xf32>
    %add3A_35 = arith.addf %dot_general3A_29, %dot_general3A_34 : vector<1024x128xf32>
    %swap3A_36 = arith.constant 0 : index
    %swap3A_37 = arith.constant 0 : index
    %swap3A_38 = vector.load %arg8[%swap3A_36, %swap3A_37] : memref<1024x128xf32, #tpu.memory_space<vmem>>, vector<1024x128xf32>
    tpu.vector_store %arg8[%swap3A_36, %swap3A_37], %add3A_35 {strides = array<i32>} : memref<1024x128xf32, #tpu.memory_space<vmem>>, vector<1024x128xf32>,
    %swap3A_39 = arith.constant 0 : index
    %swap3A_40 = arith.constant 0 : index
    %swap3A_41 = vector.load %arg9[%swap3A_39, %swap3A_40] : memref<1024x128xf32, #tpu.memory_space<vmem>>, vector<1024x128xf32>
    tpu.vector_store %arg9[%swap3A_39, %swap3A_40], %add3A_9 {strides = array<i32>} : memref<1024x128xf32, #tpu.memory_space<vmem>>, vector<1024x128xf32>,
    return
  }
  func.func @transform_0(%arg0: i32) -> (i32, i32) {
    %c0_i32 = arith.constant 0 : i32
    %c0_i32_0 = arith.constant 0 : i32
    return %arg0, %c0_i32 : i32, i32
  }
  func.func @transform_1(%arg0: i32) -> (i32, i32) {
    %c0_i32 = arith.constant 0 : i32
    %c0_i32_0 = arith.constant 0 : i32
    return %arg0, %c0_i32 : i32, i32
  }
  func.func @transform_2(%arg0: i32) -> (i32, i32) {
    %c0_i32 = arith.constant 0 : i32
    %c0_i32_0 = arith.constant 0 : i32
    %c0_i32_1 = arith.constant 0 : i32
    return %c0_i32, %c0_i32_0 : i32, i32
  }
  func.func @transform_3(%arg0: i32) -> (i32, i32) {
    %c0_i32 = arith.constant 0 : i32
    %c0_i32_0 = arith.constant 0 : i32
    %c0_i32_1 = arith.constant 0 : i32
    return %c0_i32, %c0_i32_0 : i32, i32
  }
  func.func @transform_4(%arg0: i32) -> (i32, i32) {
    %c0_i32 = arith.constant 0 : i32
    %c0_i32_0 = arith.constant 0 : i32
    %c0_i32_1 = arith.constant 0 : i32
    return %c0_i32, %c0_i32_0 : i32, i32
  }
  func.func @transform_5(%arg0: i32) -> (i32, i32) {
    %c0_i32 = arith.constant 0 : i32
    %c0_i32_0 = arith.constant 0 : i32
    %c0_i32_1 = arith.constant 0 : i32
    return %c0_i32, %c0_i32_0 : i32, i32
  }
  func.func @transform_6(%arg0: i32) -> (i32, i32) {
    %c0_i32 = arith.constant 0 : i32
    %c0_i32_0 = arith.constant 0 : i32
    return %arg0, %c0_i32 : i32, i32
  }
  func.func @transform_7(%arg0: i32) -> (i32, i32) {
    %c0_i32 = arith.constant 0 : i32
    %c0_i32_0 = arith.constant 0 : i32
    return %arg0, %c0_i32 : i32, i32
  }
  func.func @transform_8(%arg0: i32) -> (i32, i32) {
    %c0_i32 = arith.constant 0 : i32
    %c0_i32_0 = arith.constant 0 : i32
    return %arg0, %c0_i32 : i32, i32
  }
}

module attributes {stable_mosaic.version = 14 : i64} {
  func.func @_post_body(%arg0: i32, %arg1: memref<1024x128xf32, #tpu.memory_space<vmem>>, %arg2: memref<1024x128xf32, #tpu.memory_space<vmem>>, %arg3: memref<32x1024xf32, #tpu.memory_space<vmem>>, %arg4: memref<1024x128xf32, #tpu.memory_space<vmem>>, %arg5: memref<128x128xf32, #tpu.memory_space<vmem>>, %arg6: memref<1x128xf32, #tpu.memory_space<vmem>>, %arg7: memref<128x128xf32, #tpu.memory_space<vmem>>, %arg8: memref<1x128xf32, #tpu.memory_space<vmem>>, %arg9: memref<128x128xf32, #tpu.memory_space<vmem>>, %arg10: memref<1x128xf32, #tpu.memory_space<vmem>>, %arg11: memref<1024x128xf32, #tpu.memory_space<vmem>>) attributes {dimension_semantics = [#tpu.dimension_semantics<arbitrary>], iteration_bounds = array<i64: 10>, scalar_prefetch = 0 : i64, scratch_operands = 0 : i64, tpu.core_type = #tpu.core_type<tc>, window_params = [{transform_indices = @transform_0, window_bounds = array<i64: 1024, 128>}, {transform_indices = @transform_1, window_bounds = array<i64: 1024, 128>}, {transform_indices = @transform_2, window_bounds = array<i64: 32, 1024>}, {transform_indices = @transform_3, window_bounds = array<i64: 1024, 128>}, {pipeline_mode = #tpu.pipeline_mode<synchronous>, transform_indices = @transform_4, window_bounds = array<i64: 128, 128>}, {pipeline_mode = #tpu.pipeline_mode<synchronous>, transform_indices = @transform_5, window_bounds = array<i64: 1, 128>}, {pipeline_mode = #tpu.pipeline_mode<synchronous>, transform_indices = @transform_6, window_bounds = array<i64: 128, 128>}, {pipeline_mode = #tpu.pipeline_mode<synchronous>, transform_indices = @transform_7, window_bounds = array<i64: 1, 128>}, {pipeline_mode = #tpu.pipeline_mode<synchronous>, transform_indices = @transform_8, window_bounds = array<i64: 128, 128>}, {pipeline_mode = #tpu.pipeline_mode<synchronous>, transform_indices = @transform_9, window_bounds = array<i64: 1, 128>}, {transform_indices = @transform_10, window_bounds = array<i64: 1024, 128>}]} {
    %get3A = arith.constant 0 : index
    %get3A_0 = arith.constant 0 : index
    %get3A_1 = vector.load %arg1[%get3A, %get3A_0] : memref<1024x128xf32, #tpu.memory_space<vmem>>, vector<1024x128xf32>
    %get3A_2 = arith.constant 0 : index
    %get3A_3 = arith.constant 0 : index
    %get3A_4 = vector.load %arg2[%get3A_2, %get3A_3] : memref<1024x128xf32, #tpu.memory_space<vmem>>, vector<1024x128xf32>
    %add3A = arith.addf %get3A_1, %get3A_4 : vector<1024x128xf32>
    %get3A_5 = arith.constant 0 : index
    %get3A_6 = arith.constant 0 : index
    %get3A_7 = vector.load %arg3[%get3A_5, %get3A_6] : memref<32x1024xf32, #tpu.memory_space<vmem>>, vector<32x1024xf32>
    %reduce_sum3A = arith.constant dense<0.000000e+00> : vector<1024xf32>
    %reduce_sum3A_8 = vector.multi_reduction <add>, %get3A_7, %reduce_sum3A [0] : vector<32x1024xf32> to vector<1024xf32>
    %broadcast_in_dim3A = vector.shape_cast %reduce_sum3A_8 : vector<1024xf32> to vector<1024x1xf32>
    %get3A_9 = arith.constant 0 : index
    %get3A_10 = arith.constant 0 : index
    %get3A_11 = vector.load %arg5[%get3A_9, %get3A_10] : memref<128x128xf32, #tpu.memory_space<vmem>>, vector<128x128xf32>
    %dot_general3A = arith.constant dense<0.000000e+00> : vector<1024x128xf32>
    %dot_general3A_12 = tpu.matmul %add3A, %get3A_11, %dot_general3A {dimension_numbers = #tpu.dot_dimension_numbers<[1], [0], [0], [1], [0, 0, 1, 1], [], []>, precision = #tpu.contract_precision<fp32>, transpose_lhs_hint = false} : vector<1024x128xf32>, vector<128x128xf32>, vector<1024x128xf32> -> vector<1024x128xf32>
    %get3A_13 = arith.constant 0 : index
    %get3A_14 = arith.constant 0 : index
    %get3A_15 = vector.load %arg6[%get3A_13, %get3A_14] : memref<1x128xf32, #tpu.memory_space<vmem>>, vector<1x128xf32>
    %mul3A = vector.broadcast %broadcast_in_dim3A : vector<1024x1xf32> to vector<1024x128xf32>
    %mul3A_16 = vector.broadcast %get3A_15 : vector<1x128xf32> to vector<1024x128xf32>
    %mul3A_17 = arith.mulf %mul3A, %mul3A_16 : vector<1024x128xf32>
    %add3A_18 = arith.addf %dot_general3A_12, %mul3A_17 : vector<1024x128xf32>
    %max3A = arith.constant 1.000000e+00 : f32
    %max3A_19 = vector.broadcast %max3A : f32 to vector<1024x1xf32>
    %max3A_20 = arith.maximumf %broadcast_in_dim3A, %max3A_19 : vector<1024x1xf32>
    %div3A = vector.broadcast %max3A_20 : vector<1024x1xf32> to vector<1024x128xf32>
    %div3A_21 = arith.divf %add3A_18, %div3A : vector<1024x128xf32>
    %get3A_22 = arith.constant 0 : index
    %get3A_23 = arith.constant 0 : index
    %get3A_24 = vector.load %arg4[%get3A_22, %get3A_23] : memref<1024x128xf32, #tpu.memory_space<vmem>>, vector<1024x128xf32>
    %get3A_25 = arith.constant 0 : index
    %get3A_26 = arith.constant 0 : index
    %get3A_27 = vector.load %arg7[%get3A_25, %get3A_26] : memref<128x128xf32, #tpu.memory_space<vmem>>, vector<128x128xf32>
    %dot_general3A_28 = arith.constant dense<0.000000e+00> : vector<1024x128xf32>
    %dot_general3A_29 = tpu.matmul %get3A_24, %get3A_27, %dot_general3A_28 {dimension_numbers = #tpu.dot_dimension_numbers<[1], [0], [0], [1], [0, 0, 1, 1], [], []>, precision = #tpu.contract_precision<fp32>, transpose_lhs_hint = false} : vector<1024x128xf32>, vector<128x128xf32>, vector<1024x128xf32> -> vector<1024x128xf32>
    %add3A_30 = arith.addf %div3A_21, %dot_general3A_29 : vector<1024x128xf32>
    %get3A_31 = arith.constant 0 : index
    %get3A_32 = arith.constant 0 : index
    %get3A_33 = vector.load %arg8[%get3A_31, %get3A_32] : memref<1x128xf32, #tpu.memory_space<vmem>>, vector<1x128xf32>
    %add3A_34 = vector.broadcast %get3A_33 : vector<1x128xf32> to vector<1024x128xf32>
    %add3A_35 = arith.addf %add3A_30, %add3A_34 : vector<1024x128xf32>
    %get3A_36 = arith.constant 0 : index
    %get3A_37 = arith.constant 0 : index
    %get3A_38 = vector.load %arg9[%get3A_36, %get3A_37] : memref<128x128xf32, #tpu.memory_space<vmem>>, vector<128x128xf32>
    %dot_general3A_39 = arith.constant dense<0.000000e+00> : vector<1024x128xf32>
    %dot_general3A_40 = tpu.matmul %add3A_35, %get3A_38, %dot_general3A_39 {dimension_numbers = #tpu.dot_dimension_numbers<[1], [0], [0], [1], [0, 0, 1, 1], [], []>, precision = #tpu.contract_precision<fp32>, transpose_lhs_hint = false} : vector<1024x128xf32>, vector<128x128xf32>, vector<1024x128xf32> -> vector<1024x128xf32>
    %get3A_41 = arith.constant 0 : index
    %get3A_42 = arith.constant 0 : index
    %get3A_43 = vector.load %arg10[%get3A_41, %get3A_42] : memref<1x128xf32, #tpu.memory_space<vmem>>, vector<1x128xf32>
    %add3A_44 = vector.broadcast %get3A_43 : vector<1x128xf32> to vector<1024x128xf32>
    %add3A_45 = arith.addf %dot_general3A_40, %add3A_44 : vector<1024x128xf32>
    %max3A_46 = arith.constant 0.000000e+00 : f32
    %max3A_47 = vector.broadcast %max3A_46 : f32 to vector<1024x128xf32>
    %max3A_48 = arith.maximumf %add3A_45, %max3A_47 : vector<1024x128xf32>
    %swap3A = arith.constant 0 : index
    %swap3A_49 = arith.constant 0 : index
    %swap3A_50 = vector.load %arg11[%swap3A, %swap3A_49] : memref<1024x128xf32, #tpu.memory_space<vmem>>, vector<1024x128xf32>
    tpu.vector_store %arg11[%swap3A, %swap3A_49], %max3A_48 {strides = array<i32>} : memref<1024x128xf32, #tpu.memory_space<vmem>>, vector<1024x128xf32>,
    return
  }
  func.func @transform_0(%arg0: i32) -> (i32, i32) {
    %c0_i32 = arith.constant 0 : i32
    %c0_i32_0 = arith.constant 0 : i32
    return %arg0, %c0_i32 : i32, i32
  }
  func.func @transform_1(%arg0: i32) -> (i32, i32) {
    %c0_i32 = arith.constant 0 : i32
    %c0_i32_0 = arith.constant 0 : i32
    return %arg0, %c0_i32 : i32, i32
  }
  func.func @transform_2(%arg0: i32) -> (i32, i32) {
    %c0_i32 = arith.constant 0 : i32
    %c0_i32_0 = arith.constant 0 : i32
    return %c0_i32, %arg0 : i32, i32
  }
  func.func @transform_3(%arg0: i32) -> (i32, i32) {
    %c0_i32 = arith.constant 0 : i32
    %c0_i32_0 = arith.constant 0 : i32
    return %arg0, %c0_i32 : i32, i32
  }
  func.func @transform_4(%arg0: i32) -> (i32, i32) {
    %c0_i32 = arith.constant 0 : i32
    %c0_i32_0 = arith.constant 0 : i32
    %c0_i32_1 = arith.constant 0 : i32
    return %c0_i32, %c0_i32_0 : i32, i32
  }
  func.func @transform_5(%arg0: i32) -> (i32, i32) {
    %c0_i32 = arith.constant 0 : i32
    %c0_i32_0 = arith.constant 0 : i32
    %c0_i32_1 = arith.constant 0 : i32
    return %c0_i32, %c0_i32_0 : i32, i32
  }
  func.func @transform_6(%arg0: i32) -> (i32, i32) {
    %c0_i32 = arith.constant 0 : i32
    %c0_i32_0 = arith.constant 0 : i32
    %c0_i32_1 = arith.constant 0 : i32
    return %c0_i32, %c0_i32_0 : i32, i32
  }
  func.func @transform_7(%arg0: i32) -> (i32, i32) {
    %c0_i32 = arith.constant 0 : i32
    %c0_i32_0 = arith.constant 0 : i32
    %c0_i32_1 = arith.constant 0 : i32
    return %c0_i32, %c0_i32_0 : i32, i32
  }
  func.func @transform_8(%arg0: i32) -> (i32, i32) {
    %c0_i32 = arith.constant 0 : i32
    %c0_i32_0 = arith.constant 0 : i32
    %c0_i32_1 = arith.constant 0 : i32
    return %c0_i32, %c0_i32_0 : i32, i32
  }
  func.func @transform_9(%arg0: i32) -> (i32, i32) {
    %c0_i32 = arith.constant 0 : i32
    %c0_i32_0 = arith.constant 0 : i32
    %c0_i32_1 = arith.constant 0 : i32
    return %c0_i32, %c0_i32_0 : i32, i32
  }
  func.func @transform_10(%arg0: i32) -> (i32, i32) {
    %c0_i32 = arith.constant 0 : i32
    %c0_i32_0 = arith.constant 0 : i32
    return %arg0, %c0_i32 : i32, i32
  }
}

</mosaic_0001>

<sc_bundles>
// kernel: kernel.5.cloned.1.call-start
scs
__scs_entry_jumppad:
0x0: {  	(pc) =	sbr.rel $0x88, $3  }
0x1: {  	(tag) =	ssettag $0x0;
	lr =	simm.s32 $0x1  }
0x2: {  	[smem:$0x3F93] =	sst lr;
	_ =	strace $0xD0000000  }
0x3: {  	_ = 	snop  }
0x4: {  	_ = 	snop  }
0x5: {  	_ = 	snop  }
0x6: {  	_ = 	snop  }
0x7: {  	_ = 	snop  }
__scs_overlays_trampoline_lowered:
0x8: {  	[smem:$0x3FA2] =	sst s0  }
0x9: {  	[smem:$0x3FA3] =	sst s1  }
0xa: {  	[smem:$0x3FA4] =	sst s2  }
0xb: {  	[smem:$0x3FA5] =	sst s3  }
0xc: {  	[smem:$0x3FA6] =	sst s4  }
0xd: {  	[smem:$0x3FA7] =	sst s5  }
0xe: {  	[smem:$0x3FA8] =	sst s6  }
0xf: {  	[smem:$0x3FA9] =	sst s7  }
0x10: {  	[smem:$0x3FAA] =	sst s8  }
0x11: {  	[smem:$0x3FAB] =	sst s9;
	s0 =	simm.s32 @!p0 $0x0  }
0x12: {  	s1 =	sld [smem:$0x3F91];
	s0 =	simm.s32 @p0 $0x1  }
0x13: {  	[smem:$0x3FAC] =	sst s0;
	s0 =	simm.s32 @!p1 $0x0  }
0x14: {  	s2 =	sld [smem:$0x3F90];
	s0 =	simm.s32 @p1 $0x1  }
0x15: {  	[smem:$0x3FAD] =	sst s0;
	s0 =	simm.s32 @!p2 $0x0  }
0x16: {  	s3 =	sld [smem:$0x3FDB];
	s0 =	simm.s32 @p2 $0x1  }
0x17: {  	s4 =	simm.s32 $0x1BF5;
	[smem:$0x3FAF] =	sst s0  }
0x18: {  	s0 =	sld [smem:$0x3F92];
	_ =	swait.ge [sflag:s4], $0x0  }
0x19: {  	s7 =	sld [smem:$0x3F93]  }
0x1a: {  	s8 =	sadd.s32 $0xFFFFE003, lr  }
0x1b: {  	s9 =	sadd.s32 $0xFFFFFEF7, lr;
	s5 =	simm.s32 $0xFFFFFFFF;
	p2 =	slt.u32 s8, $0xFFFFF086  }
0x1c: {  	p1 =	slt.u32 s9, $0xF7A;
	s5 =	simm.s32 @!p2 $0x0  }
0x1d: {  	s5 =	simm.s32 @p1 $0x1;
	p0 =	seq.s32 s7, s2  }
0x1e: {  	s7 =	smul.u32 @!p0 $0xF7A, s2;
	p2 =	seq.s32 @!p0 s5, $0x0  }
0x1f: {  	s9 =	smul.u32 $0xF7A, s1;
	s8 =	simm.s32 @!p0 $0x1BF5;
	p2 =	por !p2, p0  }
0x20: {  	[sflag:s8] =	ssyncset.s32 @!p0 $0xFFFFF086;
	s6 =	sadd.s32 @!p0 s3, s7;
	s7 =	simm.s32 @!p0 $0x108  }
0x21: {  	s3 =	sadd.s32 s3, s9;
	s6 =	sadd.s32 @!p0 $0x88, s6;
	s7 =	simm.s32 @p2 $0x1082  }
0x22: {  	[simem:s7], [sflag:s8] =	dma.local @!p0 [hbm:s6], $0xF7A  }
0x23: {  	s9 =	sor.u32 $0xD0000000, s2;
	s6 =	simm.s32 $0x108;
	_ =	swait.ge @!p0 [sflag:s8], $0x0  }
0x24: {  	s3 =	sadd.s32 $0x88, s3;
	s6 =	simm.s32 @!p1 $0x1082;
	[sflag:s4] =	ssyncset.s32 $0xFFFFF086  }
0x25: {  	[simem:s6], [sflag:s4] =	dma.local [hbm:s3], $0xF7A  }
0x26: {  	[smem:$0x3F93] =	sst s1;
	(tag) =	ssettag s2;
	_ =	strace s9  }
0x27: {  	s1 =	sld [smem:$0x3FA3]  }
0x28: {  	s2 =	sld [smem:$0x3FA4]  }
0x29: {  	s4 =	sld [smem:$0x3FA6]  }
0x2a: {  	p0 =	seq.s32 s5, $0x0;
	s5 =	sld [smem:$0x3FA7]  }
0x2b: {  	s6 =	sld [smem:$0x3FA8]  }
0x2c: {  	s7 =	sld [smem:$0x3FA9]  }
0x2d: {  	s3 =	simm.s32 $0x108;
	s8 =	sld [smem:$0x3FAA]  }
0x2e: {  	s3 =	simm.s32 @!p0 $0x1082;
	s9 =	sld [smem:$0x3FAB]  }
0x2f: {  	lr =	sadd.s32 s0, s3;
	s0 =	sld [smem:$0x3FA2]  }
0x30: {  	s3 =	sld [smem:$0x3FA5]  }
0x31: {  	[smem:$0x3FAE] =	sst s10  }
0x32: {  	s10 =	sld [smem:$0x3FAC];
	_ =	sdelay $0x3  }
0x33: {  	p0 =	seq.s32 s10, $0x1;
	s10 =	sld [smem:$0x3FAE];
	_ =	sdelay $0x3  }
0x34: {  	[smem:$0x3FAE] =	sst s10  }
0x35: {  	s10 =	sld [smem:$0x3FAD];
	_ =	sdelay $0x3  }
0x36: {  	p1 =	seq.s32 s10, $0x1;
	s10 =	sld [smem:$0x3FAE];
	_ =	sdelay $0x3  }
0x37: {  	[smem:$0x3FAE] =	sst s10  }
0x38: {  	s10 =	sld [smem:$0x3FAF]  }
0x39: {  	_ = 	snop;
	(pc) =	sbr.ind lr, $3  }
0x3a: {  	_ = 	snop  }
0x3b: {  	_ = 	snop  }
0x3c: {  	p2 =	seq.s32 s10, $0x1;
	s10 =	sld [smem:$0x3FAE]  }
0x3d: {  	_ =	shalt  }
0x3e: {  	_ =	shalt  }
0x3f: {  	_ =	shalt  }
0x40: {  	_ =	shalt  }
0x41: {  	_ =	shalt  }
0x42: {  	_ =	shalt  }
0x43: {  	_ =	shalt  }
0x44: {  	_ =	shalt  }
0x45: {  	_ =	shalt  }
0x46: {  	_ =	shalt  }
0x47: {  	_ =	shalt  }
0x48: {  	_ =	shalt  }
0x49: {  	_ =	shalt  }
0x4a: {  	_ =	shalt  }
0x4b: {  	_ =	shalt  }
0x4c: {  	_ =	shalt  }
0x4d: {  	_ =	shalt  }
0x4e: {  	_ =	shalt  }
0x4f: {  	_ =	shalt  }
0x50: {  	_ =	shalt  }
0x51: {  	_ =	shalt  }
0x52: {  	_ =	shalt  }
0x53: {  	_ =	shalt  }
0x54: {  	_ =	shalt  }
0x55: {  	_ =	shalt  }
0x56: {  	_ =	shalt  }
0x57: {  	_ =	shalt  }
0x58: {  	_ =	shalt  }
0x59: {  	_ =	shalt  }
0x5a: {  	_ =	shalt  }
0x5b: {  	_ =	shalt  }
0x5c: {  	_ =	shalt  }
0x5d: {  	_ =	shalt  }
0x5e: {  	_ =	shalt  }
0x5f: {  	_ =	shalt  }
0x60: {  	_ =	shalt  }
0x61: {  	_ =	shalt  }
0x62: {  	_ =	shalt  }
0x63: {  	_ =	shalt  }
0x64: {  	_ =	shalt  }
0x65: {  	_ =	shalt  }
0x66: {  	_ =	shalt  }
0x67: {  	_ =	shalt  }
0x68: {  	_ =	shalt  }
0x69: {  	_ =	shalt  }
0x6a: {  	_ =	shalt  }
0x6b: {  	_ =	shalt  }
0x6c: {  	_ =	shalt  }
0x6d: {  	_ =	shalt  }
0x6e: {  	_ =	shalt  }
0x6f: {  	_ =	shalt  }
0x70: {  	_ =	shalt  }
0x71: {  	_ =	shalt  }
0x72: {  	_ =	shalt  }
0x73: {  	_ =	shalt  }
0x74: {  	_ =	shalt  }
0x75: {  	_ =	shalt  }
0x76: {  	_ =	shalt  }
0x77: {  	_ =	shalt  }
0x78: {  	_ =	shalt  }
0x79: {  	_ =	shalt  }
0x7a: {  	_ =	shalt  }
0x7b: {  	_ =	shalt  }
0x7c: {  	_ =	shalt  }
0x7d: {  	_ =	shalt  }
0x7e: {  	_ =	shalt  }
0x7f: {  	_ =	shalt  }
0x80: {  	_ =	shalt  }
0x81: {  	_ =	shalt  }
0x82: {  	_ =	shalt  }
0x83: {  	_ =	shalt  }
0x84: {  	_ =	shalt  }
0x85: {  	_ =	shalt  }
0x86: {  	_ =	shalt  }
0x87: {  	_ =	shalt  }
.Lfunc_end0:
.L_simem_size_0:
called_computation_lowered:
.L_overlay_start_0:
0x88: {  	s2 =	sld [smem:$0x3FD9]  }
0x89: {  	s3 =	sld [smem:$0x3FFE];
	_ =	sdelay $0x1  }
0x8a: {  	s1 =	srdreg.scid  }
0x8b: {  	s0 =	sand.u32 $0x1, s1  }
0x8c: {  	s14 =	sshll.u32 s0, $0xA;
	s2 =	sadd.s32 s3, s2  }
0x8d: {  	s2 =	sadd.s32 s2, s14  }
0x8e: {  	[smem:$0x3FBA] =	sst s2  }
0x8f: {  	_ = 	snop  }
0x90: {  	s2 =	sld [smem:$0x3FD0];
	_ =	sdelay $0x2  }
0x91: {  	s15 =	simm.s32 $0xA;
	s4 =	simm.s32 $0x10  }
0x92: {  	[smem:s4], [sflag:s15] =	dma.local [hbm:s2], $0x1  }
0x93: {  	_ =	swait.eq [sflag:s15], $0x1  }
0x94: {  	[sflag:s15] =	ssyncset.done $0x0  }
0x95: {  	s16 =	sld [smem:$0x10];
	[sflag:s15] =	ssyncadd.s32 $0xFFFFFFFF  }
0x96: {  	s17 =	sld [smem:$0x11];
	(tm) =	ssettm $0x1  }
0x97: {  	s18 =	sld [smem:$0x3FFB];
	_ =	sdelay $0x3  }
0x98: {  	_ =	strace s18  }
0x99: {  	s4 =	sld [smem:$0x3FFC];
	_ =	sdelay $0x3  }
0x9a: {  	_ =	strace s4  }
0x9b: {  	s4 =	sld [smem:$0x3FFD];
	_ =	sdelay $0x3  }
0x9c: {  	_ =	strace s4  }
0x9d: {  	_ =	strace $0x8FFFFFFF  }
0x9e: {  	s19 =	sld [smem:$0x3FDB];
	_ =	sdelay $0x1  }
0x9f: {  	s5 =	simm.s32 $_scs_section_size  }
0xa0: {  	s6 =	simm.s32 $_size__tile_overlayer_lowered;
	s7 =	simm.s32 $_tile_overlayer_lowered  }
0xa1: {  	s22 =	simm.s32 $0x1BFF;
	s21 =	sshll.u32 s7, $0x1;
	s4 =	sadd.s32 s5, s19  }
0xa2: {  	s8 =	simm.s32 $0x0;
	s20 =	sshll.u32 s6, $0x1;
	s6 =	sadd.s32 s21, s4  }
0xa3: {  	[timem:s8], [sflag:s22] =	dma.local [hbm:s6], s20  }
0xa4: {  	_ =	swait.ge [sflag:s22], s20  }
0xa5: {  	s5 =	ssub.s32 $0x0, s20;
	[sflag:s22] =	ssyncset.done $0x0  }
0xa6: {  	[sflag:s22] =	ssyncadd.s32 s5;
	_ =	sdelay $0x1  }
0xa7: {  	s23 =	simm.s32 $0x1B8B  }
0xa8: {  	_ =	swait.ge [sflag:s23], $0x1  }
0xa9: {  	[sflag:s23] =	ssyncset.done $0x0  }
0xaa: {  	s25 =	simm.s32 $0x1B8E;
	s24 =	sld [smem:$0x3FFE];
	[sflag:s23] =	ssyncadd.s32 $0xFFFFFFFF  }
0xab: {  	s26 =	simm.s32 $execute0_lowered;
	[smem:$0x3FD2] =	sst s25  }
0xac: {  	s6 =	sshll.u32 s26, $0x1;
	_ =	strace $0x80000046;
	[dreg:$0x1] =	wrdreg $0xFFFFFFFF  }
0xad: {  	s28 =	simm.s32 $_size_execute0_lowered;
	s4 =	sadd.s32 s4, s6;
	[dreg:$0x0] =	wrdreg $0x0  }
0xae: {  	s6 =	sshll.u32 s28, $0x1;
	[dreg:$0x2] =	wrdreg s4  }
0xaf: {  	[dreg:$0x3] =	wrdreg s6  }
0xb0: {  	[dreg:$0x4] =	wrdreg $0xC0  }
0xb1: {  	_ =	task [dreg:s8], $0x5FFFF  }
0xb2: {  	[dreg:$0x1] =	wrdreg $0xFFFFFFFF  }
0xb3: {  	[dreg:$0x0] =	wrdreg $0x60  }
0xb4: {  	[dreg:$0x2] =	wrdreg s24  }
0xb5: {  	[dreg:$0x3] =	wrdreg s17  }
0xb6: {  	[dreg:$0x4] =	wrdreg s16  }
0xb7: {  	[dreg:$0x5] =	wrdreg $0xAA000  }
0xb8: {  	[dreg:$0x6] =	wrdreg $0x9  }
0xb9: {  	_ =	task.clear_ibuf [dreg:s8], $0x7FFFF;
	_ =	strace $0x90000046  }
0xba: {  	s29 =	simm.s32 $0x9;
	_ =	strace $0x80000048  }
0xbb: {  	_ =	swait.ge [sflag:s29], $0x1  }
0xbc: {  	[sflag:s29] =	ssyncadd.s32 $0xFFFFFFFF  }
0xbd: {  	_ =	strace $0x90000048  }
0xbe: {  	_ =	sfence  }
0xbf: {  	s30 =	sld [smem:$0x0];
	_ =	sdelay $0x2  }
0xc0: {  	s31 =	sshll.u32 s1, $0xD;
	s1 =	sshrl.u32 s1, $0x2  }
0xc1: {  	s3 =	sand.u32 $0x4000, s31;
	s1 =	sadd.s32 s1, s30  }
0xc2: {  	s0 =	sor.u32 s3, s0;
	s1 =	sshll.u32 s1, $0x11  }
0xc3: {  	s0 =	sor.u32 s1, s0  }
0xc4: {  	s0 =	sadd.s32 $0x8F2B, s0  }
0xc5: {  	[sflag:s0] =	ssyncadd.remote.s32 $0x1  }
0xc6: {  	_ =	sfence.sel $0xFFFF  }
0xc7: {  	[dreg:$0x0] =	wrdreg $0xFFFFFFFF;
	(pc) =	sbr.abs _section_cstart, $3  }
0xc8: {  	[dreg:$0x1] =	wrdreg $0xFFFFFFFF  }
0xc9: {  	_ =	task.clear_ibuf [dreg:s8], $0x2FFFF;
	_ =	strace $0x9FFFFFFF  }
0xca: {  	(tm) =	ssettm $0x7FFFFFFF  }
0xcb: {  	_ =	shalt  }
tec
execute0_lowered:
.L_overlay_start_1:
0x0: {  	(tag) =	ssettag $0x1  }
0x1: {  	s1 =	rddreg [dreg:$0x0]  }
0x2: {  	s0 =	srdreg.scid;
	s11 =	rddreg [dreg:$0x2]  }
0x3: {  	s10 =	stileid.u32;
	s3 =	rddreg [dreg:$0x3];
	s4 =	simm.s32 $0x0  }
0x4: {  	s16 =	simm.s32 $0x5;
	s17 =	simm.s32 $0x40;
	s18 =	simm.s32 $0x200  }
0x5: {  	s19 =	simm.s32 $0x80;
	s28 =	simm.s32 $0x2;
	s29 =	simm.s32 $0x3  }
0x6: {  	s30 =	simm.s32 $0x4;
	s0 =	sand.u32 $0x1, s0;
	[smem:$0x7FF] =	sst s4  }
0x7: {  	s9 =	smul.u32 $0x14000, s10;
	s5 =	sadd.s32 $0x2600, s1;
	s6 =	sadd.s32 $0x52600, s1  }
0x8: {  	s22 =	smul.u32 $0x50000, s10;
	s24 =	sshll.u32 s10, $0x7;
	s25 =	sshll.u32 s10, $0x6  }
0x9: {  	s2 =	sshll.u32 s0, $0x4;
	s8 =	smul.u32 $0x140000, s0;
	_ =	strace $0x80000047  }
0xa: {  	s0 =	ssub.s32 $0x2, s0;
	s26 =	sand.u32 $0x380, s24;
	s24 =	simm.s32 $0x6200  }
0xb: {  	s2 =	sor.u32 s10, s2;
	s21 =	sshrl.u32 s0, $0x1;
	s23 =	sshrl.u32 s22, $0x2  }
0xc: {  	s22 =	simm.s32 $0x4200;
	s7 =	smul.u32 $0x1400, s2;
	s20 =	sadd.s32 s9, s8  }
0xd: {  	s0 =	ssub.s32 s0, s21;
	s2 =	sshrl.u32 s2, $0x3;
	s15 =	sadd.s32 s23, s3  }
0xe: {  	s21 =	simm.s32 $0x100;
	s23 =	simm.s32 $0x180;
	s2 =	smul.u32 $0x14000, s2  }
0xf: {  	s12 =	smax.u32 s0, $0x1;
	s14 =	sadd.s32 s7, s1;
	s7 =	sshrl.u32 s20, $0x3  }
.Ltmp0:
0x10: {  	s15 =	sshrl.u32 s15, $0x3;
	s1 =	sadd.s32 s7, s1;
	(pc) =	sbr.rel .LBB2_1-.Ltmp0, $4  }
0x11: {  	s7 =	sor.u32 $0x1C05, s25;
	s8 =	sadd.s32 $0x2A600, s14;
	s2 =	sor.u32 s26, s2  }
0x12: {  	s9 =	sadd.s32 $0x2A620, s14;
	s13 =	sadd.s32 $0x2A640, s14;
	s14 =	sadd.s32 $0x2A660, s14  }
0x13: {  	s25 =	simm.s32 $0x8200;
	s26 =	simm.s32 $0x1;
	s31 =	sshrl.u32 s2, $0x3  }
0x14: {  	v0 =	vimm.f32 $0.0e+00;
	s10 =	sadd.s32 $0x7A600, s1;
	s2 =	simm.s32 $0x0;
	s11 =	sadd.s32 s11, s31  }
.LBB2_10:
0x15: {  	[bflag:$0x0] =	sbarrier.arrive $0xFFFF  }
0x16: {  	[hbm:s10], [sflag:s7] =	dma.local [spmem:s15], $0x2800  }
0x17: {  	s2 =	sadd.s32 $0x1, s2;
	_ =	swait.ge [sflag:s16], $0x2800  }
0x18: {  	p0 =	sne.s32 s2, s12;
	[sflag:s16] =	ssyncset.done $0x0  }
.Ltmp1:
0x19: {  	s0 =	simm.s32 $0x400;
	[sflag:s16] =	ssyncadd.s32 $0xFFFFD800;
	(pc) =	sbr.rel @!p0 .LBB2_11-.Ltmp1, $4  }
0x1a: {  	[hbm4b:s11+s19] =	stream.strided.scatter [tilespmem:s25], [sflag:$0x5], $0x2800, s0, s19, $0x38;
	[tilespmem:$0x1EA00] =	vst v63  }
0x1b: {  	_ =	swait.ge [sflag:s16], $0x2800  }
0x1c: {  	[sflag:s16] =	ssyncset.done $0x0  }
0x1d: {  	[sflag:s16] =	ssyncadd.s32 $0xFFFFD800  }
.LBB2_1:
0x1e: {  	s0 =	simm.s32 $0x40;
	s1 =	simm.s32 $0x0  }
.LBB2_2:
0x1f: {  	p0 =	sne.s32 s0, $0x9FC0;
	[tilespmem:s1+$0x8200] =	vst v0;
	s1 =	smov.u32 s0;
	s0 =	sadd.s32 $0x40, s0  }
.Ltmp2:
0x20: {  	(pc) =	sbr.rel @p0 .LBB2_2-.Ltmp2, $2  }
0x21: {  	_ =	sdelay $0x2  }
0x22: {  	s1 =	sshra.s32 s1, $0x2  }
0x23: {  	[tilespmem:s1+$0x8200] =	vst v0;
	s0 =	rddreg [dreg:$0x1]  }
0x24: {  	[spmem:s15], [sflag:s7] =	dma.local [hbm:s0], $0x2800  }
0x25: {  	_ =	swait.ge [sflag:s16], $0x2800  }
0x26: {  	[sflag:s16] =	ssyncset.done $0x0  }
0x27: {  	[sflag:s16] =	ssyncadd.s32 $0xFFFFD800  }
0x28: {  	s0 =	simm.s32 $0x0;
	[bflag:$0x0] =	sbarrier.arrive $0xFFFF  }
0x29: {  	[tilespmem:s0], [sflag:$0x5] =	stream.linear.gather [hbm4b:s8+s0], $0x100, $0x38;
	[tilespmem:$0x1EA00] =	vst v63  }
0x2a: {  	_ =	swait.ge [sflag:s16], $0x100  }
0x2b: {  	[sflag:s16] =	ssyncset.done $0x0  }
0x2c: {  	[sflag:s16] =	ssyncadd.s32 $0xFFFFFF00  }
0x2d: {  	[tilespmem:s18], [sflag:$0x1] =	stream.indirect.gather [hbm4b:s5+s17], $0x80, s0, s17, $0xb8;
	[tilespmem:$0x1EA00] =	vst v63  }
0x2e: {  	s31 =	simm.s32 $0x2200  }
0x2f: {  	[tilespmem:s31], [sflag:$0x2] =	stream.indirect.gather [hbm4b:s6+s17], $0x80, s19, s17, $0xb8;
	[tilespmem:$0x1EA00] =	vst v63  }
0x30: {  	_ = 	snop  }
0x31: {  	[tilespmem:s21], [sflag:$0x5] =	stream.linear.gather [hbm4b:s9+s0], $0x100, $0x38;
	[tilespmem:$0x1EA00] =	vst v63  }
0x32: {  	_ =	swait.ge [sflag:s16], $0x100  }
0x33: {  	[sflag:s16] =	ssyncset.done $0x0  }
0x34: {  	[sflag:s16] =	ssyncadd.s32 $0xFFFFFF00  }
0x35: {  	[tilespmem:s22], [sflag:$0x3] =	stream.indirect.gather [hbm4b:s5+s17], $0x80, s21, s17, $0xb8;
	[tilespmem:$0x1EA00] =	vst v63  }
0x36: {  	_ = 	snop  }
0x37: {  	[tilespmem:s24], [sflag:$0x4] =	stream.indirect.gather [hbm4b:s6+s17], $0x80, s23, s17, $0xb8;
	[tilespmem:$0x1EA00] =	vst v63  }
.LBB2_4:
0x38: {  	v1 =	vld [tilespmem:$0x0];
	_ =	sdelay $0x4  }
0x39: {  	(xrf1) =	vunique.msk.u32 $0xffff, v1;
	_ =	sdelay $0xd  }
0x3a: {  	_, v2, vm0 =	vpop (xrf1);
	_ =	sdelay $0x3  }
0x3b: {  	v2 =	vcvt.s32.f32 v2;
	_ =	sdelay $0x1  }
0x3c: {  	[tilespmem:v1+s25+$0x0] =	vst.idx.add.f32.msk vm0, v2  }
0x3d: {  	v1 =	vld [tilespmem:$0x10];
	_ =	sdelay $0x4  }
0x3e: {  	(xrf1) =	vunique.msk.u32 $0xffff, v1;
	_ =	sdelay $0xd  }
0x3f: {  	_, v2, vm0 =	vpop (xrf1);
	_ =	sdelay $0x3  }
0x40: {  	v2 =	vcvt.s32.f32 v2;
	_ =	sdelay $0x1  }
0x41: {  	[tilespmem:v1+s25+$0x0] =	vst.idx.add.f32.msk vm0, v2  }
0x42: {  	v1 =	vld [tilespmem:$0x20];
	_ =	sdelay $0x4  }
0x43: {  	(xrf1) =	vunique.msk.u32 $0xffff, v1;
	_ =	sdelay $0xd  }
0x44: {  	_, v2, vm0 =	vpop (xrf1);
	_ =	sdelay $0x3  }
0x45: {  	v2 =	vcvt.s32.f32 v2;
	_ =	sdelay $0x1  }
0x46: {  	[tilespmem:v1+s25+$0x0] =	vst.idx.add.f32.msk vm0, v2  }
0x47: {  	v1 =	vld [tilespmem:$0x30];
	_ =	sdelay $0x4  }
0x48: {  	(xrf1) =	vunique.msk.u32 $0xffff, v1;
	_ =	sdelay $0xd  }
0x49: {  	_, v2, vm0 =	vpop (xrf1);
	_ =	sdelay $0x3  }
0x4a: {  	v2 =	vcvt.s32.f32 v2;
	_ =	sdelay $0x1  }
0x4b: {  	[tilespmem:v1+s25+$0x0] =	vst.idx.add.f32.msk vm0, v2  }
0x4c: {  	_ =	swait.ge [sflag:s26], $0x2000  }
0x4d: {  	[sflag:s26] =	ssyncset.done $0x0  }
0x4e: {  	[sflag:s26] =	ssyncadd.s32 $0xFFFFE000  }
0x4f: {  	_ =	swait.ge [sflag:s28], $0x2000  }
0x50: {  	[sflag:s28] =	ssyncset.done $0x0  }
0x51: {  	s1 =	simm.s32 $0x0;
	[sflag:s28] =	ssyncadd.s32 $0xFFFFE000  }
0x52: {  	v7 =	vld [tilespmem:s1+$0x2200]  }
0x53: {  	v12 =	vld [tilespmem:s1+$0x2210]  }
0x54: {  	v6 =	vld [tilespmem:s1+$0x2220]  }
0x55: {  	v5 =	vld [tilespmem:s1+$0x2230]  }
0x56: {  	v4 =	vld [tilespmem:s1+$0x2240]  }
0x57: {  	v3 =	vld [tilespmem:s1+$0x2250]  }
0x58: {  	v2 =	vld [tilespmem:s1+$0x2260]  }
0x59: {  	v1 =	vld [tilespmem:s1+$0x2270]  }
0x5a: {  	v13 =	vld [tilespmem:s1+$0x200]  }
0x5b: {  	v14 =	vld [tilespmem:s1+$0x210]  }
0x5c: {  	v11 =	vld [tilespmem:s1+$0x220]  }
0x5d: {  	v10 =	vld [tilespmem:s1+$0x230]  }
0x5e: {  	v9 =	vld [tilespmem:s1+$0x240]  }
0x5f: {  	v8 =	vld [tilespmem:s1+$0x250];
	v13 =	vadd.f32 v7, v13  }
0x60: {  	s20 =	simm.s32 $0x200;
	v12 =	vadd.f32 v12, v14;
	v7 =	vld [tilespmem:s1+$0x260]  }
.LBB2_5:
0x61: {  	s31 =	sshra.s32 s20, $0x2;
	p0 =	sne.s32 s20, $0x7E00;
	v13 =	vmax.f32 v13, $0.0e+00;
	v6 =	vadd.f32 v6, v11;
	v11 =	vld [tilespmem:s1+$0x270]  }
0x62: {  	v14 =	vld [tilespmem:s31+$0x2200];
	[tilespmem:s1+$0x200] =	vst v13;
	v12 =	vmax.f32 v12, $0.0e+00;
	v5 =	vadd.f32 v5, v10  }
0x63: {  	v15 =	vld [tilespmem:s31+$0x2210];
	[tilespmem:s1+$0x210] =	vst v12;
	v10 =	vmax.f32 v6, $0.0e+00;
	v4 =	vadd.f32 v4, v9  }
0x64: {  	v6 =	vld [tilespmem:s31+$0x2220];
	[tilespmem:s1+$0x220] =	vst v10;
	v9 =	vmax.f32 v5, $0.0e+00;
	v3 =	vadd.f32 v3, v8  }
0x65: {  	v5 =	vld [tilespmem:s31+$0x2230];
	[tilespmem:s1+$0x230] =	vst v9;
	v8 =	vmax.f32 v4, $0.0e+00;
	v2 =	vadd.f32 v2, v7  }
0x66: {  	v4 =	vld [tilespmem:s31+$0x2240];
	[tilespmem:s1+$0x240] =	vst v8;
	v7 =	vmax.f32 v3, $0.0e+00;
	v1 =	vadd.f32 v1, v11  }
0x67: {  	v3 =	vld [tilespmem:s31+$0x2250];
	[tilespmem:s1+$0x250] =	vst v7;
	v7 =	vmax.f32 v2, $0.0e+00  }
0x68: {  	v2 =	vld [tilespmem:s31+$0x2260];
	[tilespmem:s1+$0x260] =	vst v7;
	v7 =	vmax.f32 v1, $0.0e+00  }
0x69: {  	v1 =	vld [tilespmem:s31+$0x2270];
	[tilespmem:s1+$0x270] =	vst v7;
	s1 =	smov.u32 s31  }
0x6a: {  	v7 =	vld [tilespmem:s1+$0x200]  }
0x6b: {  	v12 =	vld [tilespmem:s1+$0x210]  }
.Ltmp3:
0x6c: {  	v11 =	vld [tilespmem:s1+$0x220];
	(pc) =	sbr.rel @p0 .LBB2_5-.Ltmp3, $4  }
0x6d: {  	v10 =	vld [tilespmem:s1+$0x230]  }
0x6e: {  	v9 =	vld [tilespmem:s1+$0x240]  }
0x6f: {  	v13 =	vadd.f32 v14, v7;
	v8 =	vld [tilespmem:s1+$0x250]  }
0x70: {  	s20 =	sadd.s32 $0x200, s20;
	v12 =	vadd.f32 v15, v12;
	v7 =	vld [tilespmem:s1+$0x260]  }
0x71: {  	v13 =	vmax.f32 v13, $0.0e+00;
	v6 =	vadd.f32 v6, v11;
	v11 =	vld [tilespmem:s1+$0x270]  }
0x72: {  	[tilespmem:s1+$0x200] =	vst v13;
	v12 =	vmax.f32 v12, $0.0e+00;
	v5 =	vadd.f32 v5, v10  }
0x73: {  	[tilespmem:s1+$0x210] =	vst v12;
	v6 =	vmax.f32 v6, $0.0e+00;
	v4 =	vadd.f32 v4, v9  }
0x74: {  	[tilespmem:s1+$0x220] =	vst v6;
	v5 =	vmax.f32 v5, $0.0e+00;
	v3 =	vadd.f32 v3, v8  }
0x75: {  	[tilespmem:s1+$0x230] =	vst v5;
	v4 =	vmax.f32 v4, $0.0e+00;
	v2 =	vadd.f32 v2, v7  }
0x76: {  	[tilespmem:s1+$0x240] =	vst v4;
	v3 =	vmax.f32 v3, $0.0e+00;
	v1 =	vadd.f32 v1, v11  }
0x77: {  	[tilespmem:s1+$0x250] =	vst v3;
	v2 =	vmax.f32 v2, $0.0e+00  }
0x78: {  	[tilespmem:s1+$0x260] =	vst v2;
	v1 =	vmax.f32 v1, $0.0e+00  }
0x79: {  	[tilespmem:s1+$0x270] =	vst v1  }
0x7a: {  	[spmem:s3] =	stream.indirect.scatter.add.f32 [tilespmem:s18], [sflag:$0x5], $0x80, s4, s17, $0xb8;
	[tilespmem:$0x1EA00] =	vst v63  }
0x7b: {  	p0 =	seq.s32 s0, $0x4F;
	_ =	swait.ge [sflag:s16], $0x2000  }
0x7c: {  	s1 =	sshll.u32 @!p0 s0, $0x6;
	[sflag:s16] =	ssyncset.done $0x0  }
0x7d: {  	s20 =	simm.s32 @!p0 $0x0;
	s1 =	sadd.s32 @!p0 s13, s1;
	[sflag:s16] =	ssyncadd.s32 $0xFFFFE000  }
0x7e: {  	[tilespmem:s20], [sflag:$0x5] =	stream.linear.gather @!p0 [hbm4b:s1+s20], $0x100, $0x38;
	[tilespmem:$0x1EA00] =	vst v63  }
0x7f: {  	s1 =	simm.s32 @!p0 $0x5  }
0x80: {  	_ =	swait.ge @!p0 [sflag:s1], $0x100  }
0x81: {  	[sflag:s1] =	ssyncset.done @!p0 $0x0  }
0x82: {  	s31 =	simm.s32 @!p0 $0x200;
	[sflag:s1] =	ssyncadd.s32 @!p0 $0xFFFFFF00;
	s1 =	simm.s32 @!p0 $0x40  }
0x83: {  	[tilespmem:s31], [sflag:$0x1] =	stream.indirect.gather @!p0 [hbm4b:s5+s1], $0x80, s20, s1, $0xb8;
	[tilespmem:$0x1EA00] =	vst v63  }
0x84: {  	s20 =	simm.s32 @!p0 $0x80;
	s31 =	simm.s32 @!p0 $0x2200  }
0x85: {  	[tilespmem:s31], [sflag:$0x2] =	stream.indirect.gather @!p0 [hbm4b:s6+s1], $0x80, s20, s1, $0xb8;
	[tilespmem:$0x1EA00] =	vst v63  }
0x86: {  	v1 =	vld [tilespmem:$0x100];
	_ =	sdelay $0x4  }
0x87: {  	(xrf1) =	vunique.msk.u32 $0xffff, v1;
	_ =	sdelay $0xd  }
0x88: {  	_, v2, vm0 =	vpop (xrf1);
	_ =	sdelay $0x3  }
0x89: {  	v2 =	vcvt.s32.f32 v2;
	_ =	sdelay $0x1  }
0x8a: {  	[tilespmem:v1+s25+$0x0] =	vst.idx.add.f32.msk vm0, v2  }
0x8b: {  	v1 =	vld [tilespmem:$0x110];
	_ =	sdelay $0x4  }
0x8c: {  	(xrf1) =	vunique.msk.u32 $0xffff, v1;
	_ =	sdelay $0xd  }
0x8d: {  	_, v2, vm0 =	vpop (xrf1);
	_ =	sdelay $0x3  }
0x8e: {  	v2 =	vcvt.s32.f32 v2;
	_ =	sdelay $0x1  }
0x8f: {  	[tilespmem:v1+s25+$0x0] =	vst.idx.add.f32.msk vm0, v2  }
0x90: {  	v1 =	vld [tilespmem:$0x120];
	_ =	sdelay $0x4  }
0x91: {  	(xrf1) =	vunique.msk.u32 $0xffff, v1;
	_ =	sdelay $0xd  }
0x92: {  	_, v2, vm0 =	vpop (xrf1);
	_ =	sdelay $0x3  }
0x93: {  	v2 =	vcvt.s32.f32 v2;
	_ =	sdelay $0x1  }
0x94: {  	[tilespmem:v1+s25+$0x0] =	vst.idx.add.f32.msk vm0, v2  }
0x95: {  	v1 =	vld [tilespmem:$0x130];
	_ =	sdelay $0x4  }
0x96: {  	(xrf1) =	vunique.msk.u32 $0xffff, v1;
	_ =	sdelay $0xd  }
0x97: {  	_, v2, vm0 =	vpop (xrf1);
	_ =	sdelay $0x3  }
0x98: {  	v2 =	vcvt.s32.f32 v2;
	_ =	sdelay $0x1  }
0x99: {  	[tilespmem:v1+s25+$0x0] =	vst.idx.add.f32.msk vm0, v2  }
0x9a: {  	_ =	swait.ge [sflag:s29], $0x2000  }
0x9b: {  	[sflag:s29] =	ssyncset.done $0x0  }
0x9c: {  	[sflag:s29] =	ssyncadd.s32 $0xFFFFE000  }
0x9d: {  	_ =	swait.ge [sflag:s30], $0x2000  }
0x9e: {  	[sflag:s30] =	ssyncset.done $0x0  }
0x9f: {  	s1 =	simm.s32 $0x0;
	[sflag:s30] =	ssyncadd.s32 $0xFFFFE000  }
0xa0: {  	v7 =	vld [tilespmem:s1+$0x6200]  }
0xa1: {  	v12 =	vld [tilespmem:s1+$0x6210]  }
0xa2: {  	v6 =	vld [tilespmem:s1+$0x6220]  }
0xa3: {  	v5 =	vld [tilespmem:s1+$0x6230]  }
0xa4: {  	v4 =	vld [tilespmem:s1+$0x6240]  }
0xa5: {  	v3 =	vld [tilespmem:s1+$0x6250]  }
0xa6: {  	v2 =	vld [tilespmem:s1+$0x6260]  }
0xa7: {  	v1 =	vld [tilespmem:s1+$0x6270]  }
0xa8: {  	v13 =	vld [tilespmem:s1+$0x4200]  }
0xa9: {  	v14 =	vld [tilespmem:s1+$0x4210]  }
0xaa: {  	v11 =	vld [tilespmem:s1+$0x4220]  }
0xab: {  	v10 =	vld [tilespmem:s1+$0x4230]  }
0xac: {  	v9 =	vld [tilespmem:s1+$0x4240]  }
0xad: {  	v8 =	vld [tilespmem:s1+$0x4250];
	v13 =	vadd.f32 v7, v13  }
0xae: {  	s20 =	simm.s32 $0x200;
	v12 =	vadd.f32 v12, v14;
	v7 =	vld [tilespmem:s1+$0x4260]  }
.LBB2_7:
0xaf: {  	s31 =	sshra.s32 s20, $0x2;
	p1 =	sne.s32 s20, $0x7E00;
	v13 =	vmax.f32 v13, $0.0e+00;
	v6 =	vadd.f32 v6, v11;
	v11 =	vld [tilespmem:s1+$0x4270]  }
0xb0: {  	v14 =	vld [tilespmem:s31+$0x6200];
	[tilespmem:s1+$0x4200] =	vst v13;
	v12 =	vmax.f32 v12, $0.0e+00;
	v5 =	vadd.f32 v5, v10  }
0xb1: {  	v15 =	vld [tilespmem:s31+$0x6210];
	[tilespmem:s1+$0x4210] =	vst v12;
	v10 =	vmax.f32 v6, $0.0e+00;
	v4 =	vadd.f32 v4, v9  }
0xb2: {  	v6 =	vld [tilespmem:s31+$0x6220];
	[tilespmem:s1+$0x4220] =	vst v10;
	v9 =	vmax.f32 v5, $0.0e+00;
	v3 =	vadd.f32 v3, v8  }
0xb3: {  	v5 =	vld [tilespmem:s31+$0x6230];
	[tilespmem:s1+$0x4230] =	vst v9;
	v8 =	vmax.f32 v4, $0.0e+00;
	v2 =	vadd.f32 v2, v7  }
0xb4: {  	v4 =	vld [tilespmem:s31+$0x6240];
	[tilespmem:s1+$0x4240] =	vst v8;
	v7 =	vmax.f32 v3, $0.0e+00;
	v1 =	vadd.f32 v1, v11  }
0xb5: {  	v3 =	vld [tilespmem:s31+$0x6250];
	[tilespmem:s1+$0x4250] =	vst v7;
	v7 =	vmax.f32 v2, $0.0e+00  }
0xb6: {  	v2 =	vld [tilespmem:s31+$0x6260];
	[tilespmem:s1+$0x4260] =	vst v7;
	v7 =	vmax.f32 v1, $0.0e+00  }
0xb7: {  	v1 =	vld [tilespmem:s31+$0x6270];
	[tilespmem:s1+$0x4270] =	vst v7;
	s1 =	smov.u32 s31  }
0xb8: {  	v7 =	vld [tilespmem:s1+$0x4200]  }
0xb9: {  	v12 =	vld [tilespmem:s1+$0x4210]  }
.Ltmp4:
0xba: {  	v11 =	vld [tilespmem:s1+$0x4220];
	(pc) =	sbr.rel @p1 .LBB2_7-.Ltmp4, $4  }
0xbb: {  	v10 =	vld [tilespmem:s1+$0x4230]  }
0xbc: {  	v9 =	vld [tilespmem:s1+$0x4240]  }
0xbd: {  	v13 =	vadd.f32 v14, v7;
	v8 =	vld [tilespmem:s1+$0x4250]  }
0xbe: {  	s20 =	sadd.s32 $0x200, s20;
	v12 =	vadd.f32 v15, v12;
	v7 =	vld [tilespmem:s1+$0x4260]  }
0xbf: {  	v13 =	vmax.f32 v13, $0.0e+00;
	v6 =	vadd.f32 v6, v11;
	v63 =	vld [tilespmem:s1+$0x4270]  }
0xc0: {  	[tilespmem:s1+$0x4200] =	vst v13;
	v12 =	vmax.f32 v12, $0.0e+00;
	v5 =	vadd.f32 v5, v10  }
0xc1: {  	[tilespmem:s1+$0x4210] =	vst v12;
	v6 =	vmax.f32 v6, $0.0e+00;
	v4 =	vadd.f32 v4, v9  }
0xc2: {  	[tilespmem:s1+$0x4220] =	vst v6;
	v5 =	vmax.f32 v5, $0.0e+00;
	v3 =	vadd.f32 v3, v8  }
0xc3: {  	[tilespmem:s1+$0x4230] =	vst v5;
	v4 =	vmax.f32 v4, $0.0e+00;
	v2 =	vadd.f32 v2, v7  }
0xc4: {  	[tilespmem:s1+$0x4240] =	vst v4;
	v3 =	vmax.f32 v3, $0.0e+00;
	v1 =	vadd.f32 v1, v63  }
0xc5: {  	[tilespmem:s1+$0x4250] =	vst v3;
	v2 =	vmax.f32 v2, $0.0e+00  }
0xc6: {  	[tilespmem:s1+$0x4260] =	vst v2;
	v1 =	vmax.f32 v1, $0.0e+00  }
.Ltmp5:
0xc7: {  	[tilespmem:s1+$0x4270] =	vst v1;
	(pc) =	sbr.rel @p0 .LBB2_10-.Ltmp5, $4  }
0xc8: {  	[spmem:s3] =	stream.indirect.scatter.add.f32 [tilespmem:s22], [sflag:$0x5], $0x80, s21, s17, $0xb8;
	[tilespmem:$0x1EA00] =	vst v63  }
0xc9: {  	_ =	swait.ge [sflag:s16], $0x2000  }
0xca: {  	[sflag:s16] =	ssyncset.done $0x0  }
0xcb: {  	[sflag:s16] =	ssyncadd.s32 $0xFFFFE000  }
0xcc: {  	s1 =	sshll.u32 s0, $0x6  }
0xcd: {  	s1 =	sadd.s32 s14, s1  }
0xce: {  	[tilespmem:s21], [sflag:$0x5] =	stream.linear.gather [hbm4b:s1+s4], $0x100, $0x38;
	[tilespmem:$0x1EA00] =	vst v63  }
0xcf: {  	_ =	swait.ge [sflag:s16], $0x100  }
.Ltmp6:
0xd0: {  	[sflag:s16] =	ssyncset.done $0x0;
	(pc) =	sbr.rel .LBB2_4-.Ltmp6, $4  }
0xd1: {  	[sflag:s16] =	ssyncadd.s32 $0xFFFFFF00  }
0xd2: {  	[tilespmem:s22], [sflag:$0x3] =	stream.indirect.gather [hbm4b:s5+s17], $0x80, s21, s17, $0xb8;
	[tilespmem:$0x1EA00] =	vst v63  }
0xd3: {  	s0 =	sadd.s32 $0x1, s0  }
0xd4: {  	[tilespmem:s24], [sflag:$0x4] =	stream.indirect.gather [hbm4b:s6+s17], $0x80, s23, s17, $0xb8;
	[tilespmem:$0x1EA00] =	vst v63  }
.LBB2_11:
0xd5: {  	_ =	sfence.sel $0x180000  }
0xd6: {  	[bflag:$0x0] =	sbarrier.arrive $0xFFFF  }
0xd7: {  	_ =	strace $0x90000047  }
0xd8: {  	s0 =	stileid.u32;
	[bflag:$0x2] =	sbarrier.arrive $0xFFFF  }
0xd9: {  	p0 =	sne.s32 s0, $0x0;
	s0 =	rddreg [dreg:$0x4]  }
0xda: {  	s0 =	sadd.s32 @!p0 $0x100000, s0  }
0xdb: {  	[sflag:s0] =	ssyncadd.tile.s32 @!p0 $0x1;
	_ =	shalt  }
.Lfunc_end2:
_tile_overlayer_lowered:
.L_overlay_start_2:
0xdc: {  	(tag) =	ssettag $0x2  }
0xdd: {  	s0 =	rddreg [dreg:$0x0];
	s2 =	stileid.u32  }
0xde: {  	s1 =	rddreg [dreg:$0x1];
	p0 =	sne.s32 s2, $0x0  }
0xdf: {  	s3 =	rddreg [dreg:$0x2];
	[bflag:$0x3] =	sbarrier.arrive $0xFFFF;
	s2 =	simm.s32 @!p0 $0x1C05  }
0xe0: {  	[timem:s3], [sflag:s2] =	dma.local @!p0 [hbm:s0], s1  }
0xe1: {  	s0 =	simm.s32 @!p0 $0x5  }
0xe2: {  	_ =	swait.ge @!p0 [sflag:s0], s1  }
0xe3: {  	s1 =	ssub.s32 @!p0 $0x0, s1;
	[sflag:s0] =	ssyncset.done @!p0 $0x0  }
0xe4: {  	[sflag:s0] =	ssyncadd.s32 @!p0 s1  }
0xe5: {  	[bflag:$0x3] =	sbarrier.arrive $0xFFFF  }
0xe6: {  	_ =	shalt  }

</sc_bundles>
